<compile_context>
chip_gen: v7x
topology: tpu7x:2x2x1
jax: 0.10.2.dev20260603
libtpu: 0.0.44.dev20260713+nightly
codegen_flags: <defaults>
</compile_context>

<pallas_src>
import jax
import jax.numpy as jnp
from jax import lax
from jax.experimental import pallas as pl
from jax.experimental.pallas import tpu as pltpu
from jax.experimental.pallas import tpu_sc as plsc

VOCAB = 1000000
BATCH = 4096
HIST = 200
DIM = 64
LABELS = 10
PDIM = 16

NUM_CORES = 2
NUM_SUBCORES = 16
NUM_WORKERS = NUM_CORES * NUM_SUBCORES

PACKED_ROWS = 131072
LIN_ROWS = PACKED_ROWS * 8


_PT_BM = 16384


def _proj_body(t_ref, w_ref, o_ref):
    x = t_ref[...]
    w = w_ref[...]
    dn = (((0,), (0,)), ((), ()))
    o_ref[...] = jnp.concatenate(
        [lax.dot_general(x[:, j * (_PT_BM // 8):(j + 1) * (_PT_BM // 8)], w,
                         dn, preferred_element_type=jnp.float32)
         for j in range(8)],
        axis=1)


_proj = pl.pallas_call(
    _proj_body,
    grid=((VOCAB + _PT_BM - 1) // _PT_BM,),
    in_specs=[
        pl.BlockSpec((DIM, _PT_BM), lambda i: (0, i)),
        pl.BlockSpec((DIM, PDIM), lambda i: (0, 0)),
    ],
    out_specs=pl.BlockSpec((_PT_BM // 8, 128), lambda i: (i, 0)),
    out_shape=jax.ShapeDtypeStruct((PACKED_ROWS, 128), jnp.float32),
)


_RP_CH = 128
_RP_PER_W = PACKED_ROWS // NUM_WORKERS
_RP_CHUNKS = _RP_PER_W // _RP_CH


def _repack_body(src_hbm, dst_hbm, in0, in1, out0, out1, si0, si1, so0, so1):
    c = lax.axis_index("c")
    s = lax.axis_index("s")
    wid = s * NUM_CORES + c
    base = wid * _RP_PER_W

    ins, outs, sis, sos = (in0, in1), (out0, out1), (si0, si1), (so0, so1)

    pltpu.async_copy(src_hbm.at[pl.ds(base, _RP_CH)], in0, si0)
    pltpu.async_copy(src_hbm.at[pl.ds(base + _RP_CH, _RP_CH)], in1, si1)

    def pair(t, _):
        for par in range(2):
            i = 2 * t + par
            a = base + i * _RP_CH
            ib, ob, si, so = ins[par], outs[par], sis[par], sos[par]
            pltpu.make_async_copy(src_hbm.at[pl.ds(a, _RP_CH)], ib, si).wait()

            @pl.when(i >= 2)
            def _():
                pltpu.make_async_copy(
                    ob, dst_hbm.at[pl.ds((a - 2 * _RP_CH) * 8, _RP_CH * 8)],
                    so).wait()

            def vcopy(p, _):
                for j in range(8):
                    ob[8 * p + j, pl.ds(0, PDIM)] = ib[p, pl.ds(PDIM * j,
                                                                PDIM)]
                return ()

            lax.fori_loop(0, _RP_CH, vcopy, ())
            pltpu.async_copy(ob, dst_hbm.at[pl.ds(a * 8, _RP_CH * 8)], so)

            @pl.when(i + 2 < _RP_CHUNKS)
            def _():
                pltpu.async_copy(
                    src_hbm.at[pl.ds(a + 2 * _RP_CH, _RP_CH)], ib, si)
        return ()

    lax.fori_loop(0, _RP_CHUNKS // 2, pair, ())
    for k in (_RP_CHUNKS - 2, _RP_CHUNKS - 1):
        a = base + k * _RP_CH
        pltpu.make_async_copy(
            outs[k % 2], dst_hbm.at[pl.ds(a * 8, _RP_CH * 8)],
            sos[k % 2]).wait()


_repack = pl.kernel(
    _repack_body,
    out_type=jax.ShapeDtypeStruct((LIN_ROWS, PDIM), jnp.float32),
    mesh=plsc.VectorSubcoreMesh(core_axis_name="c", subcore_axis_name="s",
                                num_cores=NUM_CORES,
                                num_subcores=NUM_SUBCORES),
    scratch_types=[
        pltpu.VMEM((_RP_CH, 128), jnp.float32),
        pltpu.VMEM((_RP_CH, 128), jnp.float32),
        pltpu.VMEM((_RP_CH * 8, PDIM), jnp.float32),
        pltpu.VMEM((_RP_CH * 8, PDIM), jnp.float32),
        pltpu.SemaphoreType.DMA,
        pltpu.SemaphoreType.DMA,
        pltpu.SemaphoreType.DMA,
        pltpu.SemaphoreType.DMA,
    ],
    compiler_params=pltpu.CompilerParams(use_tc_tiling_on_sc=False),
)


B_PER_W = BATCH // NUM_WORKERS
CHUNK_A = 104
CHUNK_B = HIST - CHUNK_A


def _accum(buf, n, acc):
    def body(r, acc):
        return acc + buf[r, pl.ds(0, PDIM)]
    return lax.fori_loop(0, n, body, acc, unroll=8)


def _sc_mean_body(content_hbm, ptab_hbm, bias_hbm, means_hbm, idx_v, a0, a1,
                  a2, a3, b0, b1, b2, b3, out_v, bias_v, sa0, sa1, sa2, sa3,
                  sb0, sb1, sb2, sb3):
    c = lax.axis_index("c")
    s = lax.axis_index("s")
    wid = s * NUM_CORES + c
    base = wid * B_PER_W

    pltpu.sync_copy(content_hbm.at[pl.ds(base, B_PER_W)], idx_v)
    pltpu.sync_copy(bias_hbm, bias_v)
    bias = bias_v[...]

    bufs_a, bufs_b = (a0, a1, a2, a3), (b0, b1, b2, b3)
    sems_a, sems_b = (sa0, sa1, sa2, sa3), (sb0, sb1, sb2, sb3)

    for par in range(4):
        pltpu.async_copy(ptab_hbm.at[idx_v.at[par, pl.ds(0, CHUNK_A)]],
                         bufs_a[par], sems_a[par])
        pltpu.async_copy(ptab_hbm.at[idx_v.at[par, pl.ds(CHUNK_A, CHUNK_B)]],
                         bufs_b[par], sems_b[par])

    def pair(t, _):
        for par in range(4):
            b = 4 * t + par
            buf_a, buf_b = bufs_a[par], bufs_b[par]
            sem_a, sem_b = sems_a[par], sems_b[par]
            pltpu.make_async_copy(
                ptab_hbm.at[idx_v.at[b, pl.ds(0, CHUNK_A)]], buf_a,
                sem_a).wait()
            acc = _accum(buf_a, CHUNK_A, jnp.zeros((PDIM,), jnp.float32))

            @pl.when(b + 4 < B_PER_W)
            def _():
                pltpu.async_copy(
                    ptab_hbm.at[idx_v.at[b + 4, pl.ds(0, CHUNK_A)]], buf_a,
                    sem_a)

            pltpu.make_async_copy(
                ptab_hbm.at[idx_v.at[b, pl.ds(CHUNK_A, CHUNK_B)]], buf_b,
                sem_b).wait()
            acc = _accum(buf_b, CHUNK_B, acc)

            @pl.when(b + 4 < B_PER_W)
            def _():
                pltpu.async_copy(
                    ptab_hbm.at[idx_v.at[b + 4, pl.ds(CHUNK_A, CHUNK_B)]],
                    buf_b, sem_b)

            out_v[b, pl.ds(0, PDIM)] = acc * (1.0 / HIST) + bias
        return ()

    lax.fori_loop(0, B_PER_W // 4, pair, ())
    pltpu.sync_copy(out_v, means_hbm.at[pl.ds(base, B_PER_W)])


_sc_mean = pl.kernel(
    _sc_mean_body,
    out_type=jax.ShapeDtypeStruct((BATCH, PDIM), jnp.float32),
    mesh=plsc.VectorSubcoreMesh(core_axis_name="c", subcore_axis_name="s",
                                num_cores=NUM_CORES,
                                num_subcores=NUM_SUBCORES),
    scratch_types=[
        pltpu.VMEM((B_PER_W, HIST), jnp.int32),
        pltpu.VMEM((CHUNK_A, PDIM), jnp.float32),
        pltpu.VMEM((CHUNK_A, PDIM), jnp.float32),
        pltpu.VMEM((CHUNK_A, PDIM), jnp.float32),
        pltpu.VMEM((CHUNK_A, PDIM), jnp.float32),
        pltpu.VMEM((CHUNK_B, PDIM), jnp.float32),
        pltpu.VMEM((CHUNK_B, PDIM), jnp.float32),
        pltpu.VMEM((CHUNK_B, PDIM), jnp.float32),
        pltpu.VMEM((CHUNK_B, PDIM), jnp.float32),
        pltpu.VMEM((B_PER_W, PDIM), jnp.float32),
        pltpu.VMEM((PDIM,), jnp.float32),
        pltpu.SemaphoreType.DMA,
        pltpu.SemaphoreType.DMA,
        pltpu.SemaphoreType.DMA,
        pltpu.SemaphoreType.DMA,
        pltpu.SemaphoreType.DMA,
        pltpu.SemaphoreType.DMA,
        pltpu.SemaphoreType.DMA,
        pltpu.SemaphoreType.DMA,
    ],
    compiler_params=pltpu.CompilerParams(use_tc_tiling_on_sc=False),
)


def kernel(content, emb_table, fc_w, fc_b):
    w_pad = jnp.zeros((DIM, PDIM), jnp.float32).at[:, :LABELS].set(fc_w.T)
    b_pad = jnp.zeros((PDIM,), jnp.float32).at[:LABELS].set(fc_b)
    ptab128 = _proj(emb_table.T, w_pad)
    ptab = _repack(ptab128)
    r = content.astype(jnp.int32)
    sub = r % _PT_BM
    q = _PT_BM // 8
    g = 8 * (q * (r // _PT_BM) + sub % q) + sub // q
    means = _sc_mean(g, ptab, b_pad)
    return means[:, :LABELS]

# --- scband reference (transcript-rebuilt; emitter-appended) ---
"""Pipeline reference for scband-base-model-42949672960917 (READ-ONLY COPY).

The authoritative reference and input builder live on the scoring server;
editing this copy changes nothing except your own understanding.
"""

import jax, jax.numpy as jnp
import numpy as np

VOCAB = 1000000
EMBED_DIM = 64
LABEL_SIZE = 10
BATCH = 4096
HIST = 200


def setup_inputs(seed: int = 0) -> dict:
    key = jax.random.key(seed)
    k1, k2, k3, k4 = jax.random.split(key, 4)
    content = jax.random.randint(k1, (BATCH, HIST), 0, VOCAB, dtype=jnp.int64 if jax.config.jax_enable_x64 else jnp.int32)
    emb_table = jax.random.normal(k2, (VOCAB, EMBED_DIM), dtype=jnp.float32) * 0.02
    fc_w = jax.random.normal(k3, (LABEL_SIZE, EMBED_DIM), dtype=jnp.float32) * (1.0 / np.sqrt(EMBED_DIM))
    fc_b = jax.random.normal(k4, (LABEL_SIZE,), dtype=jnp.float32) * 0.01
    return {"content": content, "emb_table": emb_table, "fc_w": fc_w, "fc_b": fc_b}


def reference(content, emb_table, fc_w, fc_b):
    # content_ = mean(encoder(content), dim=1)
    emb = jnp.take(emb_table, content, axis=0)  # [B, L, D] gather
    content_ = jnp.mean(emb, axis=1)            # [B, D]
    # out = fc(content_.view(B, -1))
    out = content_.reshape(content_.shape[0], -1) @ fc_w.T + fc_b
    return out

if __name__ == "__main__":
    import jax
    _d = setup_inputs()
    print(jax.jit(kernel)(*tuple(_d.values())))

</pallas_src>

<mosaic_0001>
#map = affine_map<(d0, d1) -> (0, 0)>
module attributes {stable_mosaic.version = 14 : i64} {
  func.func @_repack_body(%arg0: i32, %arg1: i32, %arg2: memref<131072x128xf32, #tpu.memory_space<hbm>>, %arg3: memref<1048576x16xf32, #tpu.memory_space<hbm>>, %arg4: memref<128x128xf32, #tpu.memory_space<vmem>>, %arg5: memref<128x128xf32, #tpu.memory_space<vmem>>, %arg6: memref<1024x16xf32, #tpu.memory_space<vmem>>, %arg7: memref<1024x16xf32, #tpu.memory_space<vmem>>, %arg8: memref<!tpu.dma_semaphore, #tpu.memory_space<semaphore_mem>>, %arg9: memref<!tpu.dma_semaphore, #tpu.memory_space<semaphore_mem>>, %arg10: memref<!tpu.dma_semaphore, #tpu.memory_space<semaphore_mem>>, %arg11: memref<!tpu.dma_semaphore, #tpu.memory_space<semaphore_mem>>) attributes {dimension_semantics = [#tpu.dimension_semantics<core_parallel>, #tpu.dimension_semantics<subcore_parallel>], iteration_bounds = array<i64: 2, 16>, scalar_prefetch = 0 : i64, scratch_operands = 8 : i64, tpu.core_type = #tpu.core_type<sc_vector_subcore>, window_params = [{transform_indices = #map}, {transform_indices = #map}]} {
    %mul3A = arith.constant 2 : i32
    %mul3A_0 = arith.muli %arg1, %mul3A : i32
    %add3A = arith.addi %mul3A_0, %arg0 : i32
    %mul3A_1 = arith.constant 4096 : i32
    %mul3A_2 = arith.muli %add3A, %mul3A_1 : i32
    %dma_start3A = arith.constant 0 : i32
    %dma_start3A_3 = tpu.memref_slice %arg2[%mul3A_2, %dma_start3A] : memref<131072x128xf32, #tpu.memory_space<hbm>> -> memref<128x128xf32, #tpu.memory_space<hbm>>
    %dma_start3A_4 = arith.constant 0 : i32
    %dma_start3A_5 = tpu.memref_slice %arg2[%mul3A_2, %dma_start3A_4] : memref<131072x128xf32, #tpu.memory_space<hbm>> -> memref<128x128xf32, #tpu.memory_space<hbm>>
    tpu.enqueue_dma source(%dma_start3A_5 : memref<128x128xf32, #tpu.memory_space<hbm>>) target(%arg4 : memref<128x128xf32, #tpu.memory_space<vmem>>) target_semaphore(%arg8 : memref<!tpu.dma_semaphore, #tpu.memory_space<semaphore_mem>>)
    %add3A_6 = arith.constant 128 : i32
    %add3A_7 = arith.addi %mul3A_2, %add3A_6 : i32
    %dma_start3A_8 = arith.constant 0 : i32
    %dma_start3A_9 = tpu.memref_slice %arg2[%add3A_7, %dma_start3A_8] : memref<131072x128xf32, #tpu.memory_space<hbm>> -> memref<128x128xf32, #tpu.memory_space<hbm>>
    %dma_start3A_10 = arith.constant 0 : i32
    %dma_start3A_11 = tpu.memref_slice %arg2[%add3A_7, %dma_start3A_10] : memref<131072x128xf32, #tpu.memory_space<hbm>> -> memref<128x128xf32, #tpu.memory_space<hbm>>
    tpu.enqueue_dma source(%dma_start3A_11 : memref<128x128xf32, #tpu.memory_space<hbm>>) target(%arg5 : memref<128x128xf32, #tpu.memory_space<vmem>>) target_semaphore(%arg9 : memref<!tpu.dma_semaphore, #tpu.memory_space<semaphore_mem>>)
    %scan3A = arith.constant 0 : i32
    %scan3A_12 = arith.constant 16 : i32
    %scan3A_13 = arith.addi %scan3A, %scan3A_12 : i32
    %scan3A_14 = arith.constant 1 : i32
    scf.for %scan3A_31 = %scan3A to %scan3A_13 step %scan3A_14  : i32 {
      %mul3A_32 = arith.constant 2 : i32
      %mul3A_33 = arith.muli %mul3A_32, %scan3A_31 : i32
      %add3A_34 = arith.constant 0 : i32
      %add3A_35 = arith.addi %mul3A_33, %add3A_34 : i32
      %mul3A_36 = arith.constant 128 : i32
      %mul3A_37 = arith.muli %add3A_35, %mul3A_36 : i32
      %add3A_38 = arith.addi %mul3A_2, %mul3A_37 : i32
      %dma_wait3A_39 = arith.constant 0 : i32
      %dma_wait3A_40 = tpu.memref_slice %arg2[%add3A_38, %dma_wait3A_39] : memref<131072x128xf32, #tpu.memory_space<hbm>> -> memref<128x128xf32, #tpu.memory_space<hbm>>
      %dma_wait3A_41 = arith.constant 0 : i32
      %dma_wait3A_42 = tpu.memref_slice %arg2[%add3A_38, %dma_wait3A_41] : memref<131072x128xf32, #tpu.memory_space<hbm>> -> memref<128x128xf32, #tpu.memory_space<hbm>>
      tpu.wait_dma2 semaphore(%arg8 : memref<!tpu.dma_semaphore, #tpu.memory_space<semaphore_mem>>) src(%dma_wait3A_42 : memref<128x128xf32, #tpu.memory_space<hbm>>) dst(%arg4 : memref<128x128xf32, #tpu.memory_space<vmem>>)
      %ge3A = arith.constant 2 : i32
      %ge3A_43 = arith.cmpi sge, %add3A_35, %ge3A : i32
      %convert_element_type3A = arith.extui %ge3A_43 : i1 to i32
      %cond3A = arith.constant 0 : i32
      %cond3A_44 = arith.cmpi ne, %convert_element_type3A, %cond3A : i32
      scf.if %cond3A_44 {
        %sub3A = arith.constant 256 : i32
        %sub3A_96 = arith.subi %add3A_38, %sub3A : i32
        %mul3A_97 = arith.constant 8 : i32
        %mul3A_98 = arith.muli %sub3A_96, %mul3A_97 : i32
        %dma_wait3A_99 = arith.constant 0 : i32
        %dma_wait3A_100 = tpu.memref_slice %arg3[%mul3A_98, %dma_wait3A_99] : memref<1048576x16xf32, #tpu.memory_space<hbm>> -> memref<1024x16xf32, #tpu.memory_space<hbm>>
        %dma_wait3A_101 = arith.constant 0 : i32
        %dma_wait3A_102 = tpu.memref_slice %arg3[%mul3A_98, %dma_wait3A_101] : memref<1048576x16xf32, #tpu.memory_space<hbm>> -> memref<1024x16xf32, #tpu.memory_space<hbm>>
        tpu.wait_dma2 semaphore(%arg10 : memref<!tpu.dma_semaphore, #tpu.memory_space<semaphore_mem>>) src(%arg6 : memref<1024x16xf32, #tpu.memory_space<vmem>>) dst(%dma_wait3A_102 : memref<1024x16xf32, #tpu.memory_space<hbm>>)
      } else {
      }
      %scan3A_45 = arith.constant 0 : i32
      %scan3A_46 = arith.constant 128 : i32
      %scan3A_47 = arith.addi %scan3A_45, %scan3A_46 : i32
      %scan3A_48 = arith.constant 1 : i32
      scf.for %scan3A_96 = %scan3A_45 to %scan3A_47 step %scan3A_48  : i32 {
        %get3A = arith.index_cast %scan3A_96 : i32 to index
        %get3A_97 = arith.constant 0 : index
        %get3A_98 = tpu.vector_load %arg4[%get3A, %get3A_97] {strides = array<i32>} : memref<128x128xf32, #tpu.memory_space<vmem>>, vector<1x16xf32>,
        %get3A_99 = vector.shape_cast %get3A_98 : vector<1x16xf32> to vector<16xf32>
        %mul3A_100 = arith.constant 8 : i32
        %mul3A_101 = arith.muli %mul3A_100, %scan3A_96 : i32
        %add3A_102 = arith.constant 0 : i32
        %add3A_103 = arith.addi %mul3A_101, %add3A_102 : i32
        %swap3A = arith.index_cast %add3A_103 : i32 to index
        %swap3A_104 = arith.constant 0 : index
        %swap3A_105 = tpu.vector_load %arg6[%swap3A, %swap3A_104] {strides = array<i32>} : memref<1024x16xf32, #tpu.memory_space<vmem>>, vector<1x16xf32>,
        %swap3A_106 = vector.shape_cast %swap3A_105 : vector<1x16xf32> to vector<16xf32>
        %swap3A_107 = vector.shape_cast %get3A_99 : vector<16xf32> to vector<1x16xf32>
        tpu.vector_store %arg6[%swap3A, %swap3A_104], %swap3A_107 {strides = array<i32>} : memref<1024x16xf32, #tpu.memory_space<vmem>>, vector<1x16xf32>,
        %get3A_108 = arith.index_cast %scan3A_96 : i32 to index
        %get3A_109 = arith.constant 16 : index
        %get3A_110 = tpu.vector_load %arg4[%get3A_108, %get3A_109] {strides = array<i32>} : memref<128x128xf32, #tpu.memory_space<vmem>>, vector<1x16xf32>,
        %get3A_111 = vector.shape_cast %get3A_110 : vector<1x16xf32> to vector<16xf32>
        %mul3A_112 = arith.constant 8 : i32
        %mul3A_113 = arith.muli %mul3A_112, %scan3A_96 : i32
        %add3A_114 = arith.constant 1 : i32
        %add3A_115 = arith.addi %mul3A_113, %add3A_114 : i32
        %swap3A_116 = arith.index_cast %add3A_115 : i32 to index
        %swap3A_117 = arith.constant 0 : index
        %swap3A_118 = tpu.vector_load %arg6[%swap3A_116, %swap3A_117] {strides = array<i32>} : memref<1024x16xf32, #tpu.memory_space<vmem>>, vector<1x16xf32>,
        %swap3A_119 = vector.shape_cast %swap3A_118 : vector<1x16xf32> to vector<16xf32>
        %swap3A_120 = vector.shape_cast %get3A_111 : vector<16xf32> to vector<1x16xf32>
        tpu.vector_store %arg6[%swap3A_116, %swap3A_117], %swap3A_120 {strides = array<i32>} : memref<1024x16xf32, #tpu.memory_space<vmem>>, vector<1x16xf32>,
        %get3A_121 = arith.index_cast %scan3A_96 : i32 to index
        %get3A_122 = arith.constant 32 : index
        %get3A_123 = tpu.vector_load %arg4[%get3A_121, %get3A_122] {strides = array<i32>} : memref<128x128xf32, #tpu.memory_space<vmem>>, vector<1x16xf32>,
        %get3A_124 = vector.shape_cast %get3A_123 : vector<1x16xf32> to vector<16xf32>
        %mul3A_125 = arith.constant 8 : i32
        %mul3A_126 = arith.muli %mul3A_125, %scan3A_96 : i32
        %add3A_127 = arith.constant 2 : i32
        %add3A_128 = arith.addi %mul3A_126, %add3A_127 : i32
        %swap3A_129 = arith.index_cast %add3A_128 : i32 to index
        %swap3A_130 = arith.constant 0 : index
        %swap3A_131 = tpu.vector_load %arg6[%swap3A_129, %swap3A_130] {strides = array<i32>} : memref<1024x16xf32, #tpu.memory_space<vmem>>, vector<1x16xf32>,
        %swap3A_132 = vector.shape_cast %swap3A_131 : vector<1x16xf32> to vector<16xf32>
        %swap3A_133 = vector.shape_cast %get3A_124 : vector<16xf32> to vector<1x16xf32>
        tpu.vector_store %arg6[%swap3A_129, %swap3A_130], %swap3A_133 {strides = array<i32>} : memref<1024x16xf32, #tpu.memory_space<vmem>>, vector<1x16xf32>,
        %get3A_134 = arith.index_cast %scan3A_96 : i32 to index
        %get3A_135 = arith.constant 48 : index
        %get3A_136 = tpu.vector_load %arg4[%get3A_134, %get3A_135] {strides = array<i32>} : memref<128x128xf32, #tpu.memory_space<vmem>>, vector<1x16xf32>,
        %get3A_137 = vector.shape_cast %get3A_136 : vector<1x16xf32> to vector<16xf32>
        %mul3A_138 = arith.constant 8 : i32
        %mul3A_139 = arith.muli %mul3A_138, %scan3A_96 : i32
        %add3A_140 = arith.constant 3 : i32
        %add3A_141 = arith.addi %mul3A_139, %add3A_140 : i32
        %swap3A_142 = arith.index_cast %add3A_141 : i32 to index
        %swap3A_143 = arith.constant 0 : index
        %swap3A_144 = tpu.vector_load %arg6[%swap3A_142, %swap3A_143] {strides = array<i32>} : memref<1024x16xf32, #tpu.memory_space<vmem>>, vector<1x16xf32>,
        %swap3A_145 = vector.shape_cast %swap3A_144 : vector<1x16xf32> to vector<16xf32>
        %swap3A_146 = vector.shape_cast %get3A_137 : vector<16xf32> to vector<1x16xf32>
        tpu.vector_store %arg6[%swap3A_142, %swap3A_143], %swap3A_146 {strides = array<i32>} : memref<1024x16xf32, #tpu.memory_space<vmem>>, vector<1x16xf32>,
        %get3A_147 = arith.index_cast %scan3A_96 : i32 to index
        %get3A_148 = arith.constant 64 : index
        %get3A_149 = tpu.vector_load %arg4[%get3A_147, %get3A_148] {strides = array<i32>} : memref<128x128xf32, #tpu.memory_space<vmem>>, vector<1x16xf32>,
        %get3A_150 = vector.shape_cast %get3A_149 : vector<1x16xf32> to vector<16xf32>
        %mul3A_151 = arith.constant 8 : i32
        %mul3A_152 = arith.muli %mul3A_151, %scan3A_96 : i32
        %add3A_153 = arith.constant 4 : i32
        %add3A_154 = arith.addi %mul3A_152, %add3A_153 : i32
        %swap3A_155 = arith.index_cast %add3A_154 : i32 to index
        %swap3A_156 = arith.constant 0 : index
        %swap3A_157 = tpu.vector_load %arg6[%swap3A_155, %swap3A_156] {strides = array<i32>} : memref<1024x16xf32, #tpu.memory_space<vmem>>, vector<1x16xf32>,
        %swap3A_158 = vector.shape_cast %swap3A_157 : vector<1x16xf32> to vector<16xf32>
        %swap3A_159 = vector.shape_cast %get3A_150 : vector<16xf32> to vector<1x16xf32>
        tpu.vector_store %arg6[%swap3A_155, %swap3A_156], %swap3A_159 {strides = array<i32>} : memref<1024x16xf32, #tpu.memory_space<vmem>>, vector<1x16xf32>,
        %get3A_160 = arith.index_cast %scan3A_96 : i32 to index
        %get3A_161 = arith.constant 80 : index
        %get3A_162 = tpu.vector_load %arg4[%get3A_160, %get3A_161] {strides = array<i32>} : memref<128x128xf32, #tpu.memory_space<vmem>>, vector<1x16xf32>,
        %get3A_163 = vector.shape_cast %get3A_162 : vector<1x16xf32> to vector<16xf32>
        %mul3A_164 = arith.constant 8 : i32
        %mul3A_165 = arith.muli %mul3A_164, %scan3A_96 : i32
        %add3A_166 = arith.constant 5 : i32
        %add3A_167 = arith.addi %mul3A_165, %add3A_166 : i32
        %swap3A_168 = arith.index_cast %add3A_167 : i32 to index
        %swap3A_169 = arith.constant 0 : index
        %swap3A_170 = tpu.vector_load %arg6[%swap3A_168, %swap3A_169] {strides = array<i32>} : memref<1024x16xf32, #tpu.memory_space<vmem>>, vector<1x16xf32>,
        %swap3A_171 = vector.shape_cast %swap3A_170 : vector<1x16xf32> to vector<16xf32>
        %swap3A_172 = vector.shape_cast %get3A_163 : vector<16xf32> to vector<1x16xf32>
        tpu.vector_store %arg6[%swap3A_168, %swap3A_169], %swap3A_172 {strides = array<i32>} : memref<1024x16xf32, #tpu.memory_space<vmem>>, vector<1x16xf32>,
        %get3A_173 = arith.index_cast %scan3A_96 : i32 to index
        %get3A_174 = arith.constant 96 : index
        %get3A_175 = tpu.vector_load %arg4[%get3A_173, %get3A_174] {strides = array<i32>} : memref<128x128xf32, #tpu.memory_space<vmem>>, vector<1x16xf32>,
        %get3A_176 = vector.shape_cast %get3A_175 : vector<1x16xf32> to vector<16xf32>
        %mul3A_177 = arith.constant 8 : i32
        %mul3A_178 = arith.muli %mul3A_177, %scan3A_96 : i32
        %add3A_179 = arith.constant 6 : i32
        %add3A_180 = arith.addi %mul3A_178, %add3A_179 : i32
        %swap3A_181 = arith.index_cast %add3A_180 : i32 to index
        %swap3A_182 = arith.constant 0 : index
        %swap3A_183 = tpu.vector_load %arg6[%swap3A_181, %swap3A_182] {strides = array<i32>} : memref<1024x16xf32, #tpu.memory_space<vmem>>, vector<1x16xf32>,
        %swap3A_184 = vector.shape_cast %swap3A_183 : vector<1x16xf32> to vector<16xf32>
        %swap3A_185 = vector.shape_cast %get3A_176 : vector<16xf32> to vector<1x16xf32>
        tpu.vector_store %arg6[%swap3A_181, %swap3A_182], %swap3A_185 {strides = array<i32>} : memref<1024x16xf32, #tpu.memory_space<vmem>>, vector<1x16xf32>,
        %get3A_186 = arith.index_cast %scan3A_96 : i32 to index
        %get3A_187 = arith.constant 112 : index
        %get3A_188 = tpu.vector_load %arg4[%get3A_186, %get3A_187] {strides = array<i32>} : memref<128x128xf32, #tpu.memory_space<vmem>>, vector<1x16xf32>,
        %get3A_189 = vector.shape_cast %get3A_188 : vector<1x16xf32> to vector<16xf32>
        %mul3A_190 = arith.constant 8 : i32
        %mul3A_191 = arith.muli %mul3A_190, %scan3A_96 : i32
        %add3A_192 = arith.constant 7 : i32
        %add3A_193 = arith.addi %mul3A_191, %add3A_192 : i32
        %swap3A_194 = arith.index_cast %add3A_193 : i32 to index
        %swap3A_195 = arith.constant 0 : index
        %swap3A_196 = tpu.vector_load %arg6[%swap3A_194, %swap3A_195] {strides = array<i32>} : memref<1024x16xf32, #tpu.memory_space<vmem>>, vector<1x16xf32>,
        %swap3A_197 = vector.shape_cast %swap3A_196 : vector<1x16xf32> to vector<16xf32>
        %swap3A_198 = vector.shape_cast %get3A_189 : vector<16xf32> to vector<1x16xf32>
        tpu.vector_store %arg6[%swap3A_194, %swap3A_195], %swap3A_198 {strides = array<i32>} : memref<1024x16xf32, #tpu.memory_space<vmem>>, vector<1x16xf32>,
      }
      %scan3A_49 = arith.constant 128 : i32
      %mul3A_50 = arith.constant 8 : i32
      %mul3A_51 = arith.muli %add3A_38, %mul3A_50 : i32
      %dma_start3A_52 = arith.constant 0 : i32
      %dma_start3A_53 = tpu.memref_slice %arg3[%mul3A_51, %dma_start3A_52] : memref<1048576x16xf32, #tpu.memory_space<hbm>> -> memref<1024x16xf32, #tpu.memory_space<hbm>>
      %dma_start3A_54 = arith.constant 0 : i32
      %dma_start3A_55 = tpu.memref_slice %arg3[%mul3A_51, %dma_start3A_54] : memref<1048576x16xf32, #tpu.memory_space<hbm>> -> memref<1024x16xf32, #tpu.memory_space<hbm>>
      tpu.enqueue_dma source(%arg6 : memref<1024x16xf32, #tpu.memory_space<vmem>>) target(%dma_start3A_55 : memref<1024x16xf32, #tpu.memory_space<hbm>>) target_semaphore(%arg10 : memref<!tpu.dma_semaphore, #tpu.memory_space<semaphore_mem>>)
      %add3A_56 = arith.constant 2 : i32
      %add3A_57 = arith.addi %add3A_35, %add3A_56 : i32
      %lt3A = arith.constant 32 : i32
      %lt3A_58 = arith.cmpi slt, %add3A_57, %lt3A : i32
      %convert_element_type3A_59 = arith.extui %lt3A_58 : i1 to i32
      %cond3A_60 = arith.constant 0 : i32
      %cond3A_61 = arith.cmpi ne, %convert_element_type3A_59, %cond3A_60 : i32
      scf.if %cond3A_61 {
        %add3A_96 = arith.constant 256 : i32
        %add3A_97 = arith.addi %add3A_38, %add3A_96 : i32
        %dma_start3A_98 = arith.constant 0 : i32
        %dma_start3A_99 = tpu.memref_slice %arg2[%add3A_97, %dma_start3A_98] : memref<131072x128xf32, #tpu.memory_space<hbm>> -> memref<128x128xf32, #tpu.memory_space<hbm>>
        %dma_start3A_100 = arith.constant 0 : i32
        %dma_start3A_101 = tpu.memref_slice %arg2[%add3A_97, %dma_start3A_100] : memref<131072x128xf32, #tpu.memory_space<hbm>> -> memref<128x128xf32, #tpu.memory_space<hbm>>
        tpu.enqueue_dma source(%dma_start3A_101 : memref<128x128xf32, #tpu.memory_space<hbm>>) target(%arg4 : memref<128x128xf32, #tpu.memory_space<vmem>>) target_semaphore(%arg8 : memref<!tpu.dma_semaphore, #tpu.memory_space<semaphore_mem>>)
      } else {
      }
      %mul3A_62 = arith.constant 2 : i32
      %mul3A_63 = arith.muli %mul3A_62, %scan3A_31 : i32
      %add3A_64 = arith.constant 1 : i32
      %add3A_65 = arith.addi %mul3A_63, %add3A_64 : i32
      %mul3A_66 = arith.constant 128 : i32
      %mul3A_67 = arith.muli %add3A_65, %mul3A_66 : i32
      %add3A_68 = arith.addi %mul3A_2, %mul3A_67 : i32
      %dma_wait3A_69 = arith.constant 0 : i32
      %dma_wait3A_70 = tpu.memref_slice %arg2[%add3A_68, %dma_wait3A_69] : memref<131072x128xf32, #tpu.memory_space<hbm>> -> memref<128x128xf32, #tpu.memory_space<hbm>>
      %dma_wait3A_71 = arith.constant 0 : i32
      %dma_wait3A_72 = tpu.memref_slice %arg2[%add3A_68, %dma_wait3A_71] : memref<131072x128xf32, #tpu.memory_space<hbm>> -> memref<128x128xf32, #tpu.memory_space<hbm>>
      tpu.wait_dma2 semaphore(%arg9 : memref<!tpu.dma_semaphore, #tpu.memory_space<semaphore_mem>>) src(%dma_wait3A_72 : memref<128x128xf32, #tpu.memory_space<hbm>>) dst(%arg5 : memref<128x128xf32, #tpu.memory_space<vmem>>)
      %ge3A_73 = arith.constant 2 : i32
      %ge3A_74 = arith.cmpi sge, %add3A_65, %ge3A_73 : i32
      %convert_element_type3A_75 = arith.extui %ge3A_74 : i1 to i32
      %cond3A_76 = arith.constant 0 : i32
      %cond3A_77 = arith.cmpi ne, %convert_element_type3A_75, %cond3A_76 : i32
      scf.if %cond3A_77 {
        %sub3A = arith.constant 256 : i32
        %sub3A_96 = arith.subi %add3A_68, %sub3A : i32
        %mul3A_97 = arith.constant 8 : i32
        %mul3A_98 = arith.muli %sub3A_96, %mul3A_97 : i32
        %dma_wait3A_99 = arith.constant 0 : i32
        %dma_wait3A_100 = tpu.memref_slice %arg3[%mul3A_98, %dma_wait3A_99] : memref<1048576x16xf32, #tpu.memory_space<hbm>> -> memref<1024x16xf32, #tpu.memory_space<hbm>>
        %dma_wait3A_101 = arith.constant 0 : i32
        %dma_wait3A_102 = tpu.memref_slice %arg3[%mul3A_98, %dma_wait3A_101] : memref<1048576x16xf32, #tpu.memory_space<hbm>> -> memref<1024x16xf32, #tpu.memory_space<hbm>>
        tpu.wait_dma2 semaphore(%arg11 : memref<!tpu.dma_semaphore, #tpu.memory_space<semaphore_mem>>) src(%arg7 : memref<1024x16xf32, #tpu.memory_space<vmem>>) dst(%dma_wait3A_102 : memref<1024x16xf32, #tpu.memory_space<hbm>>)
      } else {
      }
      %scan3A_78 = arith.constant 0 : i32
      %scan3A_79 = arith.constant 128 : i32
      %scan3A_80 = arith.addi %scan3A_78, %scan3A_79 : i32
      %scan3A_81 = arith.constant 1 : i32
      scf.for %scan3A_96 = %scan3A_78 to %scan3A_80 step %scan3A_81  : i32 {
        %get3A = arith.index_cast %scan3A_96 : i32 to index
        %get3A_97 = arith.constant 0 : index
        %get3A_98 = tpu.vector_load %arg5[%get3A, %get3A_97] {strides = array<i32>} : memref<128x128xf32, #tpu.memory_space<vmem>>, vector<1x16xf32>,
        %get3A_99 = vector.shape_cast %get3A_98 : vector<1x16xf32> to vector<16xf32>
        %mul3A_100 = arith.constant 8 : i32
        %mul3A_101 = arith.muli %mul3A_100, %scan3A_96 : i32
        %add3A_102 = arith.constant 0 : i32
        %add3A_103 = arith.addi %mul3A_101, %add3A_102 : i32
        %swap3A = arith.index_cast %add3A_103 : i32 to index
        %swap3A_104 = arith.constant 0 : index
        %swap3A_105 = tpu.vector_load %arg7[%swap3A, %swap3A_104] {strides = array<i32>} : memref<1024x16xf32, #tpu.memory_space<vmem>>, vector<1x16xf32>,
        %swap3A_106 = vector.shape_cast %swap3A_105 : vector<1x16xf32> to vector<16xf32>
        %swap3A_107 = vector.shape_cast %get3A_99 : vector<16xf32> to vector<1x16xf32>
        tpu.vector_store %arg7[%swap3A, %swap3A_104], %swap3A_107 {strides = array<i32>} : memref<1024x16xf32, #tpu.memory_space<vmem>>, vector<1x16xf32>,
        %get3A_108 = arith.index_cast %scan3A_96 : i32 to index
        %get3A_109 = arith.constant 16 : index
        %get3A_110 = tpu.vector_load %arg5[%get3A_108, %get3A_109] {strides = array<i32>} : memref<128x128xf32, #tpu.memory_space<vmem>>, vector<1x16xf32>,
        %get3A_111 = vector.shape_cast %get3A_110 : vector<1x16xf32> to vector<16xf32>
        %mul3A_112 = arith.constant 8 : i32
        %mul3A_113 = arith.muli %mul3A_112, %scan3A_96 : i32
        %add3A_114 = arith.constant 1 : i32
        %add3A_115 = arith.addi %mul3A_113, %add3A_114 : i32
        %swap3A_116 = arith.index_cast %add3A_115 : i32 to index
        %swap3A_117 = arith.constant 0 : index
        %swap3A_118 = tpu.vector_load %arg7[%swap3A_116, %swap3A_117] {strides = array<i32>} : memref<1024x16xf32, #tpu.memory_space<vmem>>, vector<1x16xf32>,
        %swap3A_119 = vector.shape_cast %swap3A_118 : vector<1x16xf32> to vector<16xf32>
        %swap3A_120 = vector.shape_cast %get3A_111 : vector<16xf32> to vector<1x16xf32>
        tpu.vector_store %arg7[%swap3A_116, %swap3A_117], %swap3A_120 {strides = array<i32>} : memref<1024x16xf32, #tpu.memory_space<vmem>>, vector<1x16xf32>,
        %get3A_121 = arith.index_cast %scan3A_96 : i32 to index
        %get3A_122 = arith.constant 32 : index
        %get3A_123 = tpu.vector_load %arg5[%get3A_121, %get3A_122] {strides = array<i32>} : memref<128x128xf32, #tpu.memory_space<vmem>>, vector<1x16xf32>,
        %get3A_124 = vector.shape_cast %get3A_123 : vector<1x16xf32> to vector<16xf32>
        %mul3A_125 = arith.constant 8 : i32
        %mul3A_126 = arith.muli %mul3A_125, %scan3A_96 : i32
        %add3A_127 = arith.constant 2 : i32
        %add3A_128 = arith.addi %mul3A_126, %add3A_127 : i32
        %swap3A_129 = arith.index_cast %add3A_128 : i32 to index
        %swap3A_130 = arith.constant 0 : index
        %swap3A_131 = tpu.vector_load %arg7[%swap3A_129, %swap3A_130] {strides = array<i32>} : memref<1024x16xf32, #tpu.memory_space<vmem>>, vector<1x16xf32>,
        %swap3A_132 = vector.shape_cast %swap3A_131 : vector<1x16xf32> to vector<16xf32>
        %swap3A_133 = vector.shape_cast %get3A_124 : vector<16xf32> to vector<1x16xf32>
        tpu.vector_store %arg7[%swap3A_129, %swap3A_130], %swap3A_133 {strides = array<i32>} : memref<1024x16xf32, #tpu.memory_space<vmem>>, vector<1x16xf32>,
        %get3A_134 = arith.index_cast %scan3A_96 : i32 to index
        %get3A_135 = arith.constant 48 : index
        %get3A_136 = tpu.vector_load %arg5[%get3A_134, %get3A_135] {strides = array<i32>} : memref<128x128xf32, #tpu.memory_space<vmem>>, vector<1x16xf32>,
        %get3A_137 = vector.shape_cast %get3A_136 : vector<1x16xf32> to vector<16xf32>
        %mul3A_138 = arith.constant 8 : i32
        %mul3A_139 = arith.muli %mul3A_138, %scan3A_96 : i32
        %add3A_140 = arith.constant 3 : i32
        %add3A_141 = arith.addi %mul3A_139, %add3A_140 : i32
        %swap3A_142 = arith.index_cast %add3A_141 : i32 to index
        %swap3A_143 = arith.constant 0 : index
        %swap3A_144 = tpu.vector_load %arg7[%swap3A_142, %swap3A_143] {strides = array<i32>} : memref<1024x16xf32, #tpu.memory_space<vmem>>, vector<1x16xf32>,
        %swap3A_145 = vector.shape_cast %swap3A_144 : vector<1x16xf32> to vector<16xf32>
        %swap3A_146 = vector.shape_cast %get3A_137 : vector<16xf32> to vector<1x16xf32>
        tpu.vector_store %arg7[%swap3A_142, %swap3A_143], %swap3A_146 {strides = array<i32>} : memref<1024x16xf32, #tpu.memory_space<vmem>>, vector<1x16xf32>,
        %get3A_147 = arith.index_cast %scan3A_96 : i32 to index
        %get3A_148 = arith.constant 64 : index
        %get3A_149 = tpu.vector_load %arg5[%get3A_147, %get3A_148] {strides = array<i32>} : memref<128x128xf32, #tpu.memory_space<vmem>>, vector<1x16xf32>,
        %get3A_150 = vector.shape_cast %get3A_149 : vector<1x16xf32> to vector<16xf32>
        %mul3A_151 = arith.constant 8 : i32
        %mul3A_152 = arith.muli %mul3A_151, %scan3A_96 : i32
        %add3A_153 = arith.constant 4 : i32
        %add3A_154 = arith.addi %mul3A_152, %add3A_153 : i32
        %swap3A_155 = arith.index_cast %add3A_154 : i32 to index
        %swap3A_156 = arith.constant 0 : index
        %swap3A_157 = tpu.vector_load %arg7[%swap3A_155, %swap3A_156] {strides = array<i32>} : memref<1024x16xf32, #tpu.memory_space<vmem>>, vector<1x16xf32>,
        %swap3A_158 = vector.shape_cast %swap3A_157 : vector<1x16xf32> to vector<16xf32>
        %swap3A_159 = vector.shape_cast %get3A_150 : vector<16xf32> to vector<1x16xf32>
        tpu.vector_store %arg7[%swap3A_155, %swap3A_156], %swap3A_159 {strides = array<i32>} : memref<1024x16xf32, #tpu.memory_space<vmem>>, vector<1x16xf32>,
        %get3A_160 = arith.index_cast %scan3A_96 : i32 to index
        %get3A_161 = arith.constant 80 : index
        %get3A_162 = tpu.vector_load %arg5[%get3A_160, %get3A_161] {strides = array<i32>} : memref<128x128xf32, #tpu.memory_space<vmem>>, vector<1x16xf32>,
        %get3A_163 = vector.shape_cast %get3A_162 : vector<1x16xf32> to vector<16xf32>
        %mul3A_164 = arith.constant 8 : i32
        %mul3A_165 = arith.muli %mul3A_164, %scan3A_96 : i32
        %add3A_166 = arith.constant 5 : i32
        %add3A_167 = arith.addi %mul3A_165, %add3A_166 : i32
        %swap3A_168 = arith.index_cast %add3A_167 : i32 to index
        %swap3A_169 = arith.constant 0 : index
        %swap3A_170 = tpu.vector_load %arg7[%swap3A_168, %swap3A_169] {strides = array<i32>} : memref<1024x16xf32, #tpu.memory_space<vmem>>, vector<1x16xf32>,
        %swap3A_171 = vector.shape_cast %swap3A_170 : vector<1x16xf32> to vector<16xf32>
        %swap3A_172 = vector.shape_cast %get3A_163 : vector<16xf32> to vector<1x16xf32>
        tpu.vector_store %arg7[%swap3A_168, %swap3A_169], %swap3A_172 {strides = array<i32>} : memref<1024x16xf32, #tpu.memory_space<vmem>>, vector<1x16xf32>,
        %get3A_173 = arith.index_cast %scan3A_96 : i32 to index
        %get3A_174 = arith.constant 96 : index
        %get3A_175 = tpu.vector_load %arg5[%get3A_173, %get3A_174] {strides = array<i32>} : memref<128x128xf32, #tpu.memory_space<vmem>>, vector<1x16xf32>,
        %get3A_176 = vector.shape_cast %get3A_175 : vector<1x16xf32> to vector<16xf32>
        %mul3A_177 = arith.constant 8 : i32
        %mul3A_178 = arith.muli %mul3A_177, %scan3A_96 : i32
        %add3A_179 = arith.constant 6 : i32
        %add3A_180 = arith.addi %mul3A_178, %add3A_179 : i32
        %swap3A_181 = arith.index_cast %add3A_180 : i32 to index
        %swap3A_182 = arith.constant 0 : index
        %swap3A_183 = tpu.vector_load %arg7[%swap3A_181, %swap3A_182] {strides = array<i32>} : memref<1024x16xf32, #tpu.memory_space<vmem>>, vector<1x16xf32>,
        %swap3A_184 = vector.shape_cast %swap3A_183 : vector<1x16xf32> to vector<16xf32>
        %swap3A_185 = vector.shape_cast %get3A_176 : vector<16xf32> to vector<1x16xf32>
        tpu.vector_store %arg7[%swap3A_181, %swap3A_182], %swap3A_185 {strides = array<i32>} : memref<1024x16xf32, #tpu.memory_space<vmem>>, vector<1x16xf32>,
        %get3A_186 = arith.index_cast %scan3A_96 : i32 to index
        %get3A_187 = arith.constant 112 : index
        %get3A_188 = tpu.vector_load %arg5[%get3A_186, %get3A_187] {strides = array<i32>} : memref<128x128xf32, #tpu.memory_space<vmem>>, vector<1x16xf32>,
        %get3A_189 = vector.shape_cast %get3A_188 : vector<1x16xf32> to vector<16xf32>
        %mul3A_190 = arith.constant 8 : i32
        %mul3A_191 = arith.muli %mul3A_190, %scan3A_96 : i32
        %add3A_192 = arith.constant 7 : i32
        %add3A_193 = arith.addi %mul3A_191, %add3A_192 : i32
        %swap3A_194 = arith.index_cast %add3A_193 : i32 to index
        %swap3A_195 = arith.constant 0 : index
        %swap3A_196 = tpu.vector_load %arg7[%swap3A_194, %swap3A_195] {strides = array<i32>} : memref<1024x16xf32, #tpu.memory_space<vmem>>, vector<1x16xf32>,
        %swap3A_197 = vector.shape_cast %swap3A_196 : vector<1x16xf32> to vector<16xf32>
        %swap3A_198 = vector.shape_cast %get3A_189 : vector<16xf32> to vector<1x16xf32>
        tpu.vector_store %arg7[%swap3A_194, %swap3A_195], %swap3A_198 {strides = array<i32>} : memref<1024x16xf32, #tpu.memory_space<vmem>>, vector<1x16xf32>,
      }
      %scan3A_82 = arith.constant 128 : i32
      %mul3A_83 = arith.constant 8 : i32
      %mul3A_84 = arith.muli %add3A_68, %mul3A_83 : i32
      %dma_start3A_85 = arith.constant 0 : i32
      %dma_start3A_86 = tpu.memref_slice %arg3[%mul3A_84, %dma_start3A_85] : memref<1048576x16xf32, #tpu.memory_space<hbm>> -> memref<1024x16xf32, #tpu.memory_space<hbm>>
      %dma_start3A_87 = arith.constant 0 : i32
      %dma_start3A_88 = tpu.memref_slice %arg3[%mul3A_84, %dma_start3A_87] : memref<1048576x16xf32, #tpu.memory_space<hbm>> -> memref<1024x16xf32, #tpu.memory_space<hbm>>
      tpu.enqueue_dma source(%arg7 : memref<1024x16xf32, #tpu.memory_space<vmem>>) target(%dma_start3A_88 : memref<1024x16xf32, #tpu.memory_space<hbm>>) target_semaphore(%arg11 : memref<!tpu.dma_semaphore, #tpu.memory_space<semaphore_mem>>)
      %add3A_89 = arith.constant 2 : i32
      %add3A_90 = arith.addi %add3A_65, %add3A_89 : i32
      %lt3A_91 = arith.constant 32 : i32
      %lt3A_92 = arith.cmpi slt, %add3A_90, %lt3A_91 : i32
      %convert_element_type3A_93 = arith.extui %lt3A_92 : i1 to i32
      %cond3A_94 = arith.constant 0 : i32
      %cond3A_95 = arith.cmpi ne, %convert_element_type3A_93, %cond3A_94 : i32
      scf.if %cond3A_95 {
        %add3A_96 = arith.constant 256 : i32
        %add3A_97 = arith.addi %add3A_68, %add3A_96 : i32
        %dma_start3A_98 = arith.constant 0 : i32
        %dma_start3A_99 = tpu.memref_slice %arg2[%add3A_97, %dma_start3A_98] : memref<131072x128xf32, #tpu.memory_space<hbm>> -> memref<128x128xf32, #tpu.memory_space<hbm>>
        %dma_start3A_100 = arith.constant 0 : i32
        %dma_start3A_101 = tpu.memref_slice %arg2[%add3A_97, %dma_start3A_100] : memref<131072x128xf32, #tpu.memory_space<hbm>> -> memref<128x128xf32, #tpu.memory_space<hbm>>
        tpu.enqueue_dma source(%dma_start3A_101 : memref<128x128xf32, #tpu.memory_space<hbm>>) target(%arg5 : memref<128x128xf32, #tpu.memory_space<vmem>>) target_semaphore(%arg9 : memref<!tpu.dma_semaphore, #tpu.memory_space<semaphore_mem>>)
      } else {
      }
    }
    %scan3A_15 = arith.constant 16 : i32
    %add3A_16 = arith.constant 3840 : i32
    %add3A_17 = arith.addi %mul3A_2, %add3A_16 : i32
    %mul3A_18 = arith.constant 8 : i32
    %mul3A_19 = arith.muli %add3A_17, %mul3A_18 : i32
    %dma_wait3A = arith.constant 0 : i32
    %dma_wait3A_20 = tpu.memref_slice %arg3[%mul3A_19, %dma_wait3A] : memref<1048576x16xf32, #tpu.memory_space<hbm>> -> memref<1024x16xf32, #tpu.memory_space<hbm>>
    %dma_wait3A_21 = arith.constant 0 : i32
    %dma_wait3A_22 = tpu.memref_slice %arg3[%mul3A_19, %dma_wait3A_21] : memref<1048576x16xf32, #tpu.memory_space<hbm>> -> memref<1024x16xf32, #tpu.memory_space<hbm>>
    tpu.wait_dma2 semaphore(%arg10 : memref<!tpu.dma_semaphore, #tpu.memory_space<semaphore_mem>>) src(%arg6 : memref<1024x16xf32, #tpu.memory_space<vmem>>) dst(%dma_wait3A_22 : memref<1024x16xf32, #tpu.memory_space<hbm>>)
    %add3A_23 = arith.constant 3968 : i32
    %add3A_24 = arith.addi %mul3A_2, %add3A_23 : i32
    %mul3A_25 = arith.constant 8 : i32
    %mul3A_26 = arith.muli %add3A_24, %mul3A_25 : i32
    %dma_wait3A_27 = arith.constant 0 : i32
    %dma_wait3A_28 = tpu.memref_slice %arg3[%mul3A_26, %dma_wait3A_27] : memref<1048576x16xf32, #tpu.memory_space<hbm>> -> memref<1024x16xf32, #tpu.memory_space<hbm>>
    %dma_wait3A_29 = arith.constant 0 : i32
    %dma_wait3A_30 = tpu.memref_slice %arg3[%mul3A_26, %dma_wait3A_29] : memref<1048576x16xf32, #tpu.memory_space<hbm>> -> memref<1024x16xf32, #tpu.memory_space<hbm>>
    tpu.wait_dma2 semaphore(%arg11 : memref<!tpu.dma_semaphore, #tpu.memory_space<semaphore_mem>>) src(%arg7 : memref<1024x16xf32, #tpu.memory_space<vmem>>) dst(%dma_wait3A_30 : memref<1024x16xf32, #tpu.memory_space<hbm>>)
    return
  }
}

#map = affine_map<(d0, d1) -> (0, 0)>
#map1 = affine_map<(d0, d1) -> (0)>
module attributes {stable_mosaic.version = 14 : i64} {
  func.func @_sc_mean_body(%arg0: i32, %arg1: i32, %arg2: memref<4096x200xi32, #tpu.memory_space<hbm>>, %arg3: memref<1048576x16xf32, #tpu.memory_space<hbm>>, %arg4: memref<16xf32, #tpu.memory_space<hbm>>, %arg5: memref<4096x16xf32, #tpu.memory_space<hbm>>, %arg6: memref<128x200xi32, #tpu.memory_space<vmem>>, %arg7: memref<104x16xf32, #tpu.memory_space<vmem>>, %arg8: memref<104x16xf32, #tpu.memory_space<vmem>>, %arg9: memref<104x16xf32, #tpu.memory_space<vmem>>, %arg10: memref<104x16xf32, #tpu.memory_space<vmem>>, %arg11: memref<96x16xf32, #tpu.memory_space<vmem>>, %arg12: memref<96x16xf32, #tpu.memory_space<vmem>>, %arg13: memref<96x16xf32, #tpu.memory_space<vmem>>, %arg14: memref<96x16xf32, #tpu.memory_space<vmem>>, %arg15: memref<128x16xf32, #tpu.memory_space<vmem>>, %arg16: memref<16xf32, #tpu.memory_space<vmem>>, %arg17: memref<!tpu.dma_semaphore, #tpu.memory_space<semaphore_mem>>, %arg18: memref<!tpu.dma_semaphore, #tpu.memory_space<semaphore_mem>>, %arg19: memref<!tpu.dma_semaphore, #tpu.memory_space<semaphore_mem>>, %arg20: memref<!tpu.dma_semaphore, #tpu.memory_space<semaphore_mem>>, %arg21: memref<!tpu.dma_semaphore, #tpu.memory_space<semaphore_mem>>, %arg22: memref<!tpu.dma_semaphore, #tpu.memory_space<semaphore_mem>>, %arg23: memref<!tpu.dma_semaphore, #tpu.memory_space<semaphore_mem>>, %arg24: memref<!tpu.dma_semaphore, #tpu.memory_space<semaphore_mem>>) attributes {dimension_semantics = [#tpu.dimension_semantics<core_parallel>, #tpu.dimension_semantics<subcore_parallel>], iteration_bounds = array<i64: 2, 16>, scalar_prefetch = 0 : i64, scratch_operands = 19 : i64, tpu.core_type = #tpu.core_type<sc_vector_subcore>, window_params = [{transform_indices = #map}, {transform_indices = #map}, {transform_indices = #map1}, {transform_indices = #map}]} {
    %mul3A = arith.constant 2 : i32
    %mul3A_0 = arith.muli %arg1, %mul3A : i32
    %add3A = arith.addi %mul3A_0, %arg0 : i32
    %mul3A_1 = arith.constant 128 : i32
    %mul3A_2 = arith.muli %add3A, %mul3A_1 : i32
    "tpu.region"() ({
      %run_scoped3A = tpu.sem_alloc : memref<!tpu.dma_semaphore, #tpu.memory_space<semaphore_mem>>
      %dma_start3A_64 = arith.constant 0 : i32
      %dma_start3A_65 = tpu.memref_slice %arg2[%mul3A_2, %dma_start3A_64] : memref<4096x200xi32, #tpu.memory_space<hbm>> -> memref<128x200xi32, #tpu.memory_space<hbm>>
      %dma_start3A_66 = arith.constant 0 : i32
      %dma_start3A_67 = tpu.memref_slice %arg2[%mul3A_2, %dma_start3A_66] : memref<4096x200xi32, #tpu.memory_space<hbm>> -> memref<128x200xi32, #tpu.memory_space<hbm>>
      tpu.enqueue_dma source(%dma_start3A_67 : memref<128x200xi32, #tpu.memory_space<hbm>>) target(%arg6 : memref<128x200xi32, #tpu.memory_space<vmem>>) target_semaphore(%run_scoped3A : memref<!tpu.dma_semaphore, #tpu.memory_space<semaphore_mem>>)
      %dma_wait3A = arith.constant 0 : i32
      %dma_wait3A_68 = tpu.memref_slice %arg2[%mul3A_2, %dma_wait3A] : memref<4096x200xi32, #tpu.memory_space<hbm>> -> memref<128x200xi32, #tpu.memory_space<hbm>>
      %dma_wait3A_69 = arith.constant 0 : i32
      %dma_wait3A_70 = tpu.memref_slice %arg2[%mul3A_2, %dma_wait3A_69] : memref<4096x200xi32, #tpu.memory_space<hbm>> -> memref<128x200xi32, #tpu.memory_space<hbm>>
      tpu.wait_dma2 semaphore(%run_scoped3A : memref<!tpu.dma_semaphore, #tpu.memory_space<semaphore_mem>>) src(%dma_wait3A_70 : memref<128x200xi32, #tpu.memory_space<hbm>>) dst(%arg6 : memref<128x200xi32, #tpu.memory_space<vmem>>)
      tpu.yield
    }) : () -> ()
    "tpu.region"() ({
      %run_scoped3A = tpu.sem_alloc : memref<!tpu.dma_semaphore, #tpu.memory_space<semaphore_mem>>
      tpu.enqueue_dma source(%arg4 : memref<16xf32, #tpu.memory_space<hbm>>) target(%arg16 : memref<16xf32, #tpu.memory_space<vmem>>) target_semaphore(%run_scoped3A : memref<!tpu.dma_semaphore, #tpu.memory_space<semaphore_mem>>)
      tpu.wait_dma2 semaphore(%run_scoped3A : memref<!tpu.dma_semaphore, #tpu.memory_space<semaphore_mem>>) src(%arg4 : memref<16xf32, #tpu.memory_space<hbm>>) dst(%arg16 : memref<16xf32, #tpu.memory_space<vmem>>)
      tpu.yield
    }) : () -> ()
    %get3A = arith.constant 0 : index
    %get3A_3 = tpu.vector_load %arg16[%get3A] {strides = array<i32>} : memref<16xf32, #tpu.memory_space<vmem>>, vector<16xf32>,
    %get3A_4 = vector.shape_cast %get3A_3 : vector<16xf32> to vector<16xf32>
    %dma_start3A = arith.constant 0 : i32
    %dma_start3A_5 = arith.constant 0 : i32
    %dma_start3A_6 = tpu.memref_slice %arg6[%dma_start3A, %dma_start3A_5] : memref<128x200xi32, #tpu.memory_space<vmem>> -> memref<1x104xi32, #tpu.memory_space<vmem>>
    %dma_start3A_7 = tpu.memref_squeeze %dma_start3A_6 : memref<1x104xi32, #tpu.memory_space<vmem>> -> memref<104xi32, #tpu.memory_space<vmem>>
    %dma_start3A_8 = arith.constant 0 : i32
    %dma_start3A_9 = arith.constant 0 : i32
    %dma_start3A_10 = tpu.memref_slice %arg3[%dma_start3A_8, %dma_start3A_9] : memref<1048576x16xf32, #tpu.memory_space<hbm>> -> memref<1048576x16xf32, #tpu.memory_space<hbm>>
    tpu.enqueue_indirect_dma source(%dma_start3A_10 : memref<1048576x16xf32, #tpu.memory_space<hbm>>) target(%arg7 : memref<104x16xf32, #tpu.memory_space<vmem>>) offsets(%dma_start3A_7 : memref<104xi32, #tpu.memory_space<vmem>>) semaphore(%arg17 : memref<!tpu.dma_semaphore, #tpu.memory_space<semaphore_mem>>)
    %dma_start3A_11 = arith.constant 0 : i32
    %dma_start3A_12 = arith.constant 104 : i32
    %dma_start3A_13 = tpu.memref_slice %arg6[%dma_start3A_11, %dma_start3A_12] : memref<128x200xi32, #tpu.memory_space<vmem>> -> memref<1x96xi32, #tpu.memory_space<vmem>>
    %dma_start3A_14 = tpu.memref_squeeze %dma_start3A_13 : memref<1x96xi32, #tpu.memory_space<vmem>> -> memref<96xi32, #tpu.memory_space<vmem>>
    %dma_start3A_15 = arith.constant 0 : i32
    %dma_start3A_16 = arith.constant 0 : i32
    %dma_start3A_17 = tpu.memref_slice %arg3[%dma_start3A_15, %dma_start3A_16] : memref<1048576x16xf32, #tpu.memory_space<hbm>> -> memref<1048576x16xf32, #tpu.memory_space<hbm>>
    tpu.enqueue_indirect_dma source(%dma_start3A_17 : memref<1048576x16xf32, #tpu.memory_space<hbm>>) target(%arg11 : memref<96x16xf32, #tpu.memory_space<vmem>>) offsets(%dma_start3A_14 : memref<96xi32, #tpu.memory_space<vmem>>) semaphore(%arg21 : memref<!tpu.dma_semaphore, #tpu.memory_space<semaphore_mem>>)
    %dma_start3A_18 = arith.constant 1 : i32
    %dma_start3A_19 = arith.constant 0 : i32
    %dma_start3A_20 = tpu.memref_slice %arg6[%dma_start3A_18, %dma_start3A_19] : memref<128x200xi32, #tpu.memory_space<vmem>> -> memref<1x104xi32, #tpu.memory_space<vmem>>
    %dma_start3A_21 = tpu.memref_squeeze %dma_start3A_20 : memref<1x104xi32, #tpu.memory_space<vmem>> -> memref<104xi32, #tpu.memory_space<vmem>>
    %dma_start3A_22 = arith.constant 0 : i32
    %dma_start3A_23 = arith.constant 0 : i32
    %dma_start3A_24 = tpu.memref_slice %arg3[%dma_start3A_22, %dma_start3A_23] : memref<1048576x16xf32, #tpu.memory_space<hbm>> -> memref<1048576x16xf32, #tpu.memory_space<hbm>>
    tpu.enqueue_indirect_dma source(%dma_start3A_24 : memref<1048576x16xf32, #tpu.memory_space<hbm>>) target(%arg8 : memref<104x16xf32, #tpu.memory_space<vmem>>) offsets(%dma_start3A_21 : memref<104xi32, #tpu.memory_space<vmem>>) semaphore(%arg18 : memref<!tpu.dma_semaphore, #tpu.memory_space<semaphore_mem>>)
    %dma_start3A_25 = arith.constant 1 : i32
    %dma_start3A_26 = arith.constant 104 : i32
    %dma_start3A_27 = tpu.memref_slice %arg6[%dma_start3A_25, %dma_start3A_26] : memref<128x200xi32, #tpu.memory_space<vmem>> -> memref<1x96xi32, #tpu.memory_space<vmem>>
    %dma_start3A_28 = tpu.memref_squeeze %dma_start3A_27 : memref<1x96xi32, #tpu.memory_space<vmem>> -> memref<96xi32, #tpu.memory_space<vmem>>
    %dma_start3A_29 = arith.constant 0 : i32
    %dma_start3A_30 = arith.constant 0 : i32
    %dma_start3A_31 = tpu.memref_slice %arg3[%dma_start3A_29, %dma_start3A_30] : memref<1048576x16xf32, #tpu.memory_space<hbm>> -> memref<1048576x16xf32, #tpu.memory_space<hbm>>
    tpu.enqueue_indirect_dma source(%dma_start3A_31 : memref<1048576x16xf32, #tpu.memory_space<hbm>>) target(%arg12 : memref<96x16xf32, #tpu.memory_space<vmem>>) offsets(%dma_start3A_28 : memref<96xi32, #tpu.memory_space<vmem>>) semaphore(%arg22 : memref<!tpu.dma_semaphore, #tpu.memory_space<semaphore_mem>>)
    %dma_start3A_32 = arith.constant 2 : i32
    %dma_start3A_33 = arith.constant 0 : i32
    %dma_start3A_34 = tpu.memref_slice %arg6[%dma_start3A_32, %dma_start3A_33] : memref<128x200xi32, #tpu.memory_space<vmem>> -> memref<1x104xi32, #tpu.memory_space<vmem>>
    %dma_start3A_35 = tpu.memref_squeeze %dma_start3A_34 : memref<1x104xi32, #tpu.memory_space<vmem>> -> memref<104xi32, #tpu.memory_space<vmem>>
    %dma_start3A_36 = arith.constant 0 : i32
    %dma_start3A_37 = arith.constant 0 : i32
    %dma_start3A_38 = tpu.memref_slice %arg3[%dma_start3A_36, %dma_start3A_37] : memref<1048576x16xf32, #tpu.memory_space<hbm>> -> memref<1048576x16xf32, #tpu.memory_space<hbm>>
    tpu.enqueue_indirect_dma source(%dma_start3A_38 : memref<1048576x16xf32, #tpu.memory_space<hbm>>) target(%arg9 : memref<104x16xf32, #tpu.memory_space<vmem>>) offsets(%dma_start3A_35 : memref<104xi32, #tpu.memory_space<vmem>>) semaphore(%arg19 : memref<!tpu.dma_semaphore, #tpu.memory_space<semaphore_mem>>)
    %dma_start3A_39 = arith.constant 2 : i32
    %dma_start3A_40 = arith.constant 104 : i32
    %dma_start3A_41 = tpu.memref_slice %arg6[%dma_start3A_39, %dma_start3A_40] : memref<128x200xi32, #tpu.memory_space<vmem>> -> memref<1x96xi32, #tpu.memory_space<vmem>>
    %dma_start3A_42 = tpu.memref_squeeze %dma_start3A_41 : memref<1x96xi32, #tpu.memory_space<vmem>> -> memref<96xi32, #tpu.memory_space<vmem>>
    %dma_start3A_43 = arith.constant 0 : i32
    %dma_start3A_44 = arith.constant 0 : i32
    %dma_start3A_45 = tpu.memref_slice %arg3[%dma_start3A_43, %dma_start3A_44] : memref<1048576x16xf32, #tpu.memory_space<hbm>> -> memref<1048576x16xf32, #tpu.memory_space<hbm>>
    tpu.enqueue_indirect_dma source(%dma_start3A_45 : memref<1048576x16xf32, #tpu.memory_space<hbm>>) target(%arg13 : memref<96x16xf32, #tpu.memory_space<vmem>>) offsets(%dma_start3A_42 : memref<96xi32, #tpu.memory_space<vmem>>) semaphore(%arg23 : memref<!tpu.dma_semaphore, #tpu.memory_space<semaphore_mem>>)
    %dma_start3A_46 = arith.constant 3 : i32
    %dma_start3A_47 = arith.constant 0 : i32
    %dma_start3A_48 = tpu.memref_slice %arg6[%dma_start3A_46, %dma_start3A_47] : memref<128x200xi32, #tpu.memory_space<vmem>> -> memref<1x104xi32, #tpu.memory_space<vmem>>
    %dma_start3A_49 = tpu.memref_squeeze %dma_start3A_48 : memref<1x104xi32, #tpu.memory_space<vmem>> -> memref<104xi32, #tpu.memory_space<vmem>>
    %dma_start3A_50 = arith.constant 0 : i32
    %dma_start3A_51 = arith.constant 0 : i32
    %dma_start3A_52 = tpu.memref_slice %arg3[%dma_start3A_50, %dma_start3A_51] : memref<1048576x16xf32, #tpu.memory_space<hbm>> -> memref<1048576x16xf32, #tpu.memory_space<hbm>>
    tpu.enqueue_indirect_dma source(%dma_start3A_52 : memref<1048576x16xf32, #tpu.memory_space<hbm>>) target(%arg10 : memref<104x16xf32, #tpu.memory_space<vmem>>) offsets(%dma_start3A_49 : memref<104xi32, #tpu.memory_space<vmem>>) semaphore(%arg20 : memref<!tpu.dma_semaphore, #tpu.memory_space<semaphore_mem>>)
    %dma_start3A_53 = arith.constant 3 : i32
    %dma_start3A_54 = arith.constant 104 : i32
    %dma_start3A_55 = tpu.memref_slice %arg6[%dma_start3A_53, %dma_start3A_54] : memref<128x200xi32, #tpu.memory_space<vmem>> -> memref<1x96xi32, #tpu.memory_space<vmem>>
    %dma_start3A_56 = tpu.memref_squeeze %dma_start3A_55 : memref<1x96xi32, #tpu.memory_space<vmem>> -> memref<96xi32, #tpu.memory_space<vmem>>
    %dma_start3A_57 = arith.constant 0 : i32
    %dma_start3A_58 = arith.constant 0 : i32
    %dma_start3A_59 = tpu.memref_slice %arg3[%dma_start3A_57, %dma_start3A_58] : memref<1048576x16xf32, #tpu.memory_space<hbm>> -> memref<1048576x16xf32, #tpu.memory_space<hbm>>
    tpu.enqueue_indirect_dma source(%dma_start3A_59 : memref<1048576x16xf32, #tpu.memory_space<hbm>>) target(%arg14 : memref<96x16xf32, #tpu.memory_space<vmem>>) offsets(%dma_start3A_56 : memref<96xi32, #tpu.memory_space<vmem>>) semaphore(%arg24 : memref<!tpu.dma_semaphore, #tpu.memory_space<semaphore_mem>>)
    %scan3A = arith.constant 0 : i32
    %scan3A_60 = arith.constant 32 : i32
    %scan3A_61 = arith.addi %scan3A, %scan3A_60 : i32
    %scan3A_62 = arith.constant 1 : i32
    scf.for %scan3A_64 = %scan3A to %scan3A_61 step %scan3A_62  : i32 {
      %mul3A_65 = arith.constant 4 : i32
      %mul3A_66 = arith.muli %mul3A_65, %scan3A_64 : i32
      %add3A_67 = arith.constant 0 : i32
      %add3A_68 = arith.addi %mul3A_66, %add3A_67 : i32
      %dma_wait3A = arith.constant 0 : i32
      %dma_wait3A_69 = tpu.memref_slice %arg6[%add3A_68, %dma_wait3A] : memref<128x200xi32, #tpu.memory_space<vmem>> -> memref<1x104xi32, #tpu.memory_space<vmem>>
      %dma_wait3A_70 = tpu.memref_squeeze %dma_wait3A_69 : memref<1x104xi32, #tpu.memory_space<vmem>> -> memref<104xi32, #tpu.memory_space<vmem>>
      %dma_wait3A_71 = arith.constant 0 : i32
      %dma_wait3A_72 = arith.constant 0 : i32
      %dma_wait3A_73 = tpu.memref_slice %arg3[%dma_wait3A_71, %dma_wait3A_72] : memref<1048576x16xf32, #tpu.memory_space<hbm>> -> memref<1048576x16xf32, #tpu.memory_space<hbm>>
      tpu.wait_indirect_dma semaphore(%arg17 : memref<!tpu.dma_semaphore, #tpu.memory_space<semaphore_mem>>) src(%dma_wait3A_73 : memref<1048576x16xf32, #tpu.memory_space<hbm>>) dst(%arg7 : memref<104x16xf32, #tpu.memory_space<vmem>>)
      %broadcast_in_dim3A = arith.constant 0.000000e+00 : f32
      %broadcast_in_dim3A_74 = vector.broadcast %broadcast_in_dim3A : f32 to vector<16xf32>
      %scan3A_75 = arith.constant 0 : i32
      %scan3A_76 = arith.constant 104 : i32
      %scan3A_77 = arith.addi %scan3A_75, %scan3A_76 : i32
      %scan3A_78 = arith.constant 8 : i32
      %scan3A_79 = scf.for %scan3A_271 = %scan3A_75 to %scan3A_77 step %scan3A_78 iter_args(%scan3A_272 = %broadcast_in_dim3A_74) -> (vector<16xf32>)  : i32 {
        %get3A_273 = arith.index_cast %scan3A_271 : i32 to index
        %get3A_274 = arith.constant 0 : index
        %get3A_275 = tpu.vector_load %arg7[%get3A_273, %get3A_274] {strides = array<i32>} : memref<104x16xf32, #tpu.memory_space<vmem>>, vector<1x16xf32>,
        %get3A_276 = vector.shape_cast %get3A_275 : vector<1x16xf32> to vector<16xf32>
        %add3A_277 = arith.addf %scan3A_272, %get3A_276 : vector<16xf32>
        %scan3A_278 = arith.constant 1 : i32
        %scan3A_279 = arith.addi %scan3A_271, %scan3A_278 : i32
        %get3A_280 = arith.index_cast %scan3A_279 : i32 to index
        %get3A_281 = arith.constant 0 : index
        %get3A_282 = tpu.vector_load %arg7[%get3A_280, %get3A_281] {strides = array<i32>} : memref<104x16xf32, #tpu.memory_space<vmem>>, vector<1x16xf32>,
        %get3A_283 = vector.shape_cast %get3A_282 : vector<1x16xf32> to vector<16xf32>
        %add3A_284 = arith.addf %add3A_277, %get3A_283 : vector<16xf32>
        %scan3A_285 = arith.constant 2 : i32
        %scan3A_286 = arith.addi %scan3A_271, %scan3A_285 : i32
        %get3A_287 = arith.index_cast %scan3A_286 : i32 to index
        %get3A_288 = arith.constant 0 : index
        %get3A_289 = tpu.vector_load %arg7[%get3A_287, %get3A_288] {strides = array<i32>} : memref<104x16xf32, #tpu.memory_space<vmem>>, vector<1x16xf32>,
        %get3A_290 = vector.shape_cast %get3A_289 : vector<1x16xf32> to vector<16xf32>
        %add3A_291 = arith.addf %add3A_284, %get3A_290 : vector<16xf32>
        %scan3A_292 = arith.constant 3 : i32
        %scan3A_293 = arith.addi %scan3A_271, %scan3A_292 : i32
        %get3A_294 = arith.index_cast %scan3A_293 : i32 to index
        %get3A_295 = arith.constant 0 : index
        %get3A_296 = tpu.vector_load %arg7[%get3A_294, %get3A_295] {strides = array<i32>} : memref<104x16xf32, #tpu.memory_space<vmem>>, vector<1x16xf32>,
        %get3A_297 = vector.shape_cast %get3A_296 : vector<1x16xf32> to vector<16xf32>
        %add3A_298 = arith.addf %add3A_291, %get3A_297 : vector<16xf32>
        %scan3A_299 = arith.constant 4 : i32
        %scan3A_300 = arith.addi %scan3A_271, %scan3A_299 : i32
        %get3A_301 = arith.index_cast %scan3A_300 : i32 to index
        %get3A_302 = arith.constant 0 : index
        %get3A_303 = tpu.vector_load %arg7[%get3A_301, %get3A_302] {strides = array<i32>} : memref<104x16xf32, #tpu.memory_space<vmem>>, vector<1x16xf32>,
        %get3A_304 = vector.shape_cast %get3A_303 : vector<1x16xf32> to vector<16xf32>
        %add3A_305 = arith.addf %add3A_298, %get3A_304 : vector<16xf32>
        %scan3A_306 = arith.constant 5 : i32
        %scan3A_307 = arith.addi %scan3A_271, %scan3A_306 : i32
        %get3A_308 = arith.index_cast %scan3A_307 : i32 to index
        %get3A_309 = arith.constant 0 : index
        %get3A_310 = tpu.vector_load %arg7[%get3A_308, %get3A_309] {strides = array<i32>} : memref<104x16xf32, #tpu.memory_space<vmem>>, vector<1x16xf32>,
        %get3A_311 = vector.shape_cast %get3A_310 : vector<1x16xf32> to vector<16xf32>
        %add3A_312 = arith.addf %add3A_305, %get3A_311 : vector<16xf32>
        %scan3A_313 = arith.constant 6 : i32
        %scan3A_314 = arith.addi %scan3A_271, %scan3A_313 : i32
        %get3A_315 = arith.index_cast %scan3A_314 : i32 to index
        %get3A_316 = arith.constant 0 : index
        %get3A_317 = tpu.vector_load %arg7[%get3A_315, %get3A_316] {strides = array<i32>} : memref<104x16xf32, #tpu.memory_space<vmem>>, vector<1x16xf32>,
        %get3A_318 = vector.shape_cast %get3A_317 : vector<1x16xf32> to vector<16xf32>
        %add3A_319 = arith.addf %add3A_312, %get3A_318 : vector<16xf32>
        %scan3A_320 = arith.constant 7 : i32
        %scan3A_321 = arith.addi %scan3A_271, %scan3A_320 : i32
        %get3A_322 = arith.index_cast %scan3A_321 : i32 to index
        %get3A_323 = arith.constant 0 : index
        %get3A_324 = tpu.vector_load %arg7[%get3A_322, %get3A_323] {strides = array<i32>} : memref<104x16xf32, #tpu.memory_space<vmem>>, vector<1x16xf32>,
        %get3A_325 = vector.shape_cast %get3A_324 : vector<1x16xf32> to vector<16xf32>
        %add3A_326 = arith.addf %add3A_319, %get3A_325 : vector<16xf32>
        scf.yield %add3A_326 : vector<16xf32>
      }
      %scan3A_80 = arith.constant 104 : i32
      %add3A_81 = arith.constant 4 : i32
      %add3A_82 = arith.addi %add3A_68, %add3A_81 : i32
      %lt3A = arith.constant 128 : i32
      %lt3A_83 = arith.cmpi slt, %add3A_82, %lt3A : i32
      %convert_element_type3A = arith.extui %lt3A_83 : i1 to i32
      %cond3A = arith.constant 0 : i32
      %cond3A_84 = arith.cmpi ne, %convert_element_type3A, %cond3A : i32
      scf.if %cond3A_84 {
        %add3A_271 = arith.constant 4 : i32
        %add3A_272 = arith.addi %add3A_68, %add3A_271 : i32
        %dma_start3A_273 = arith.constant 0 : i32
        %dma_start3A_274 = tpu.memref_slice %arg6[%add3A_272, %dma_start3A_273] : memref<128x200xi32, #tpu.memory_space<vmem>> -> memref<1x104xi32, #tpu.memory_space<vmem>>
        %dma_start3A_275 = tpu.memref_squeeze %dma_start3A_274 : memref<1x104xi32, #tpu.memory_space<vmem>> -> memref<104xi32, #tpu.memory_space<vmem>>
        %dma_start3A_276 = arith.constant 0 : i32
        %dma_start3A_277 = arith.constant 0 : i32
        %dma_start3A_278 = tpu.memref_slice %arg3[%dma_start3A_276, %dma_start3A_277] : memref<1048576x16xf32, #tpu.memory_space<hbm>> -> memref<1048576x16xf32, #tpu.memory_space<hbm>>
        tpu.enqueue_indirect_dma source(%dma_start3A_278 : memref<1048576x16xf32, #tpu.memory_space<hbm>>) target(%arg7 : memref<104x16xf32, #tpu.memory_space<vmem>>) offsets(%dma_start3A_275 : memref<104xi32, #tpu.memory_space<vmem>>) semaphore(%arg17 : memref<!tpu.dma_semaphore, #tpu.memory_space<semaphore_mem>>)
      } else {
      }
      %dma_wait3A_85 = arith.constant 104 : i32
      %dma_wait3A_86 = tpu.memref_slice %arg6[%add3A_68, %dma_wait3A_85] : memref<128x200xi32, #tpu.memory_space<vmem>> -> memref<1x96xi32, #tpu.memory_space<vmem>>
      %dma_wait3A_87 = tpu.memref_squeeze %dma_wait3A_86 : memref<1x96xi32, #tpu.memory_space<vmem>> -> memref<96xi32, #tpu.memory_space<vmem>>
      %dma_wait3A_88 = arith.constant 0 : i32
      %dma_wait3A_89 = arith.constant 0 : i32
      %dma_wait3A_90 = tpu.memref_slice %arg3[%dma_wait3A_88, %dma_wait3A_89] : memref<1048576x16xf32, #tpu.memory_space<hbm>> -> memref<1048576x16xf32, #tpu.memory_space<hbm>>
      tpu.wait_indirect_dma semaphore(%arg21 : memref<!tpu.dma_semaphore, #tpu.memory_space<semaphore_mem>>) src(%dma_wait3A_90 : memref<1048576x16xf32, #tpu.memory_space<hbm>>) dst(%arg11 : memref<96x16xf32, #tpu.memory_space<vmem>>)
      %scan3A_91 = arith.constant 0 : i32
      %scan3A_92 = arith.constant 96 : i32
      %scan3A_93 = arith.addi %scan3A_91, %scan3A_92 : i32
      %scan3A_94 = arith.constant 8 : i32
      %scan3A_95 = scf.for %scan3A_271 = %scan3A_91 to %scan3A_93 step %scan3A_94 iter_args(%scan3A_272 = %scan3A_79) -> (vector<16xf32>)  : i32 {
        %get3A_273 = arith.index_cast %scan3A_271 : i32 to index
        %get3A_274 = arith.constant 0 : index
        %get3A_275 = tpu.vector_load %arg11[%get3A_273, %get3A_274] {strides = array<i32>} : memref<96x16xf32, #tpu.memory_space<vmem>>, vector<1x16xf32>,
        %get3A_276 = vector.shape_cast %get3A_275 : vector<1x16xf32> to vector<16xf32>
        %add3A_277 = arith.addf %scan3A_272, %get3A_276 : vector<16xf32>
        %scan3A_278 = arith.constant 1 : i32
        %scan3A_279 = arith.addi %scan3A_271, %scan3A_278 : i32
        %get3A_280 = arith.index_cast %scan3A_279 : i32 to index
        %get3A_281 = arith.constant 0 : index
        %get3A_282 = tpu.vector_load %arg11[%get3A_280, %get3A_281] {strides = array<i32>} : memref<96x16xf32, #tpu.memory_space<vmem>>, vector<1x16xf32>,
        %get3A_283 = vector.shape_cast %get3A_282 : vector<1x16xf32> to vector<16xf32>
        %add3A_284 = arith.addf %add3A_277, %get3A_283 : vector<16xf32>
        %scan3A_285 = arith.constant 2 : i32
        %scan3A_286 = arith.addi %scan3A_271, %scan3A_285 : i32
        %get3A_287 = arith.index_cast %scan3A_286 : i32 to index
        %get3A_288 = arith.constant 0 : index
        %get3A_289 = tpu.vector_load %arg11[%get3A_287, %get3A_288] {strides = array<i32>} : memref<96x16xf32, #tpu.memory_space<vmem>>, vector<1x16xf32>,
        %get3A_290 = vector.shape_cast %get3A_289 : vector<1x16xf32> to vector<16xf32>
        %add3A_291 = arith.addf %add3A_284, %get3A_290 : vector<16xf32>
        %scan3A_292 = arith.constant 3 : i32
        %scan3A_293 = arith.addi %scan3A_271, %scan3A_292 : i32
        %get3A_294 = arith.index_cast %scan3A_293 : i32 to index
        %get3A_295 = arith.constant 0 : index
        %get3A_296 = tpu.vector_load %arg11[%get3A_294, %get3A_295] {strides = array<i32>} : memref<96x16xf32, #tpu.memory_space<vmem>>, vector<1x16xf32>,
        %get3A_297 = vector.shape_cast %get3A_296 : vector<1x16xf32> to vector<16xf32>
        %add3A_298 = arith.addf %add3A_291, %get3A_297 : vector<16xf32>
        %scan3A_299 = arith.constant 4 : i32
        %scan3A_300 = arith.addi %scan3A_271, %scan3A_299 : i32
        %get3A_301 = arith.index_cast %scan3A_300 : i32 to index
        %get3A_302 = arith.constant 0 : index
        %get3A_303 = tpu.vector_load %arg11[%get3A_301, %get3A_302] {strides = array<i32>} : memref<96x16xf32, #tpu.memory_space<vmem>>, vector<1x16xf32>,
        %get3A_304 = vector.shape_cast %get3A_303 : vector<1x16xf32> to vector<16xf32>
        %add3A_305 = arith.addf %add3A_298, %get3A_304 : vector<16xf32>
        %scan3A_306 = arith.constant 5 : i32
        %scan3A_307 = arith.addi %scan3A_271, %scan3A_306 : i32
        %get3A_308 = arith.index_cast %scan3A_307 : i32 to index
        %get3A_309 = arith.constant 0 : index
        %get3A_310 = tpu.vector_load %arg11[%get3A_308, %get3A_309] {strides = array<i32>} : memref<96x16xf32, #tpu.memory_space<vmem>>, vector<1x16xf32>,
        %get3A_311 = vector.shape_cast %get3A_310 : vector<1x16xf32> to vector<16xf32>
        %add3A_312 = arith.addf %add3A_305, %get3A_311 : vector<16xf32>
        %scan3A_313 = arith.constant 6 : i32
        %scan3A_314 = arith.addi %scan3A_271, %scan3A_313 : i32
        %get3A_315 = arith.index_cast %scan3A_314 : i32 to index
        %get3A_316 = arith.constant 0 : index
        %get3A_317 = tpu.vector_load %arg11[%get3A_315, %get3A_316] {strides = array<i32>} : memref<96x16xf32, #tpu.memory_space<vmem>>, vector<1x16xf32>,
        %get3A_318 = vector.shape_cast %get3A_317 : vector<1x16xf32> to vector<16xf32>
        %add3A_319 = arith.addf %add3A_312, %get3A_318 : vector<16xf32>
        %scan3A_320 = arith.constant 7 : i32
        %scan3A_321 = arith.addi %scan3A_271, %scan3A_320 : i32
        %get3A_322 = arith.index_cast %scan3A_321 : i32 to index
        %get3A_323 = arith.constant 0 : index
        %get3A_324 = tpu.vector_load %arg11[%get3A_322, %get3A_323] {strides = array<i32>} : memref<96x16xf32, #tpu.memory_space<vmem>>, vector<1x16xf32>,
        %get3A_325 = vector.shape_cast %get3A_324 : vector<1x16xf32> to vector<16xf32>
        %add3A_326 = arith.addf %add3A_319, %get3A_325 : vector<16xf32>
        scf.yield %add3A_326 : vector<16xf32>
      }
      %scan3A_96 = arith.constant 96 : i32
      %add3A_97 = arith.constant 4 : i32
      %add3A_98 = arith.addi %add3A_68, %add3A_97 : i32
      %lt3A_99 = arith.constant 128 : i32
      %lt3A_100 = arith.cmpi slt, %add3A_98, %lt3A_99 : i32
      %convert_element_type3A_101 = arith.extui %lt3A_100 : i1 to i32
      %cond3A_102 = arith.constant 0 : i32
      %cond3A_103 = arith.cmpi ne, %convert_element_type3A_101, %cond3A_102 : i32
      scf.if %cond3A_103 {
        %add3A_271 = arith.constant 4 : i32
        %add3A_272 = arith.addi %add3A_68, %add3A_271 : i32
        %dma_start3A_273 = arith.constant 104 : i32
        %dma_start3A_274 = tpu.memref_slice %arg6[%add3A_272, %dma_start3A_273] : memref<128x200xi32, #tpu.memory_space<vmem>> -> memref<1x96xi32, #tpu.memory_space<vmem>>
        %dma_start3A_275 = tpu.memref_squeeze %dma_start3A_274 : memref<1x96xi32, #tpu.memory_space<vmem>> -> memref<96xi32, #tpu.memory_space<vmem>>
        %dma_start3A_276 = arith.constant 0 : i32
        %dma_start3A_277 = arith.constant 0 : i32
        %dma_start3A_278 = tpu.memref_slice %arg3[%dma_start3A_276, %dma_start3A_277] : memref<1048576x16xf32, #tpu.memory_space<hbm>> -> memref<1048576x16xf32, #tpu.memory_space<hbm>>
        tpu.enqueue_indirect_dma source(%dma_start3A_278 : memref<1048576x16xf32, #tpu.memory_space<hbm>>) target(%arg11 : memref<96x16xf32, #tpu.memory_space<vmem>>) offsets(%dma_start3A_275 : memref<96xi32, #tpu.memory_space<vmem>>) semaphore(%arg21 : memref<!tpu.dma_semaphore, #tpu.memory_space<semaphore_mem>>)
      } else {
      }
      %mul3A_104 = arith.constant 5.000000e-03 : f32
      %mul3A_105 = vector.broadcast %mul3A_104 : f32 to vector<16xf32>
      %mul3A_106 = arith.mulf %scan3A_95, %mul3A_105 : vector<16xf32>
      %add3A_107 = arith.addf %mul3A_106, %get3A_4 : vector<16xf32>
      %swap3A = arith.index_cast %add3A_68 : i32 to index
      %swap3A_108 = arith.constant 0 : index
      %swap3A_109 = tpu.vector_load %arg15[%swap3A, %swap3A_108] {strides = array<i32>} : memref<128x16xf32, #tpu.memory_space<vmem>>, vector<1x16xf32>,
      %swap3A_110 = vector.shape_cast %swap3A_109 : vector<1x16xf32> to vector<16xf32>
      %swap3A_111 = vector.shape_cast %add3A_107 : vector<16xf32> to vector<1x16xf32>
      tpu.vector_store %arg15[%swap3A, %swap3A_108], %swap3A_111 {strides = array<i32>} : memref<128x16xf32, #tpu.memory_space<vmem>>, vector<1x16xf32>,
      %mul3A_112 = arith.constant 4 : i32
      %mul3A_113 = arith.muli %mul3A_112, %scan3A_64 : i32
      %add3A_114 = arith.constant 1 : i32
      %add3A_115 = arith.addi %mul3A_113, %add3A_114 : i32
      %dma_wait3A_116 = arith.constant 0 : i32
      %dma_wait3A_117 = tpu.memref_slice %arg6[%add3A_115, %dma_wait3A_116] : memref<128x200xi32, #tpu.memory_space<vmem>> -> memref<1x104xi32, #tpu.memory_space<vmem>>
      %dma_wait3A_118 = tpu.memref_squeeze %dma_wait3A_117 : memref<1x104xi32, #tpu.memory_space<vmem>> -> memref<104xi32, #tpu.memory_space<vmem>>
      %dma_wait3A_119 = arith.constant 0 : i32
      %dma_wait3A_120 = arith.constant 0 : i32
      %dma_wait3A_121 = tpu.memref_slice %arg3[%dma_wait3A_119, %dma_wait3A_120] : memref<1048576x16xf32, #tpu.memory_space<hbm>> -> memref<1048576x16xf32, #tpu.memory_space<hbm>>
      tpu.wait_indirect_dma semaphore(%arg18 : memref<!tpu.dma_semaphore, #tpu.memory_space<semaphore_mem>>) src(%dma_wait3A_121 : memref<1048576x16xf32, #tpu.memory_space<hbm>>) dst(%arg8 : memref<104x16xf32, #tpu.memory_space<vmem>>)
      %broadcast_in_dim3A_122 = arith.constant 0.000000e+00 : f32
      %broadcast_in_dim3A_123 = vector.broadcast %broadcast_in_dim3A_122 : f32 to vector<16xf32>
      %scan3A_124 = arith.constant 0 : i32
      %scan3A_125 = arith.constant 104 : i32
      %scan3A_126 = arith.addi %scan3A_124, %scan3A_125 : i32
      %scan3A_127 = arith.constant 8 : i32
      %scan3A_128 = scf.for %scan3A_271 = %scan3A_124 to %scan3A_126 step %scan3A_127 iter_args(%scan3A_272 = %broadcast_in_dim3A_123) -> (vector<16xf32>)  : i32 {
        %get3A_273 = arith.index_cast %scan3A_271 : i32 to index
        %get3A_274 = arith.constant 0 : index
        %get3A_275 = tpu.vector_load %arg8[%get3A_273, %get3A_274] {strides = array<i32>} : memref<104x16xf32, #tpu.memory_space<vmem>>, vector<1x16xf32>,
        %get3A_276 = vector.shape_cast %get3A_275 : vector<1x16xf32> to vector<16xf32>
        %add3A_277 = arith.addf %scan3A_272, %get3A_276 : vector<16xf32>
        %scan3A_278 = arith.constant 1 : i32
        %scan3A_279 = arith.addi %scan3A_271, %scan3A_278 : i32
        %get3A_280 = arith.index_cast %scan3A_279 : i32 to index
        %get3A_281 = arith.constant 0 : index
        %get3A_282 = tpu.vector_load %arg8[%get3A_280, %get3A_281] {strides = array<i32>} : memref<104x16xf32, #tpu.memory_space<vmem>>, vector<1x16xf32>,
        %get3A_283 = vector.shape_cast %get3A_282 : vector<1x16xf32> to vector<16xf32>
        %add3A_284 = arith.addf %add3A_277, %get3A_283 : vector<16xf32>
        %scan3A_285 = arith.constant 2 : i32
        %scan3A_286 = arith.addi %scan3A_271, %scan3A_285 : i32
        %get3A_287 = arith.index_cast %scan3A_286 : i32 to index
        %get3A_288 = arith.constant 0 : index
        %get3A_289 = tpu.vector_load %arg8[%get3A_287, %get3A_288] {strides = array<i32>} : memref<104x16xf32, #tpu.memory_space<vmem>>, vector<1x16xf32>,
        %get3A_290 = vector.shape_cast %get3A_289 : vector<1x16xf32> to vector<16xf32>
        %add3A_291 = arith.addf %add3A_284, %get3A_290 : vector<16xf32>
        %scan3A_292 = arith.constant 3 : i32
        %scan3A_293 = arith.addi %scan3A_271, %scan3A_292 : i32
        %get3A_294 = arith.index_cast %scan3A_293 : i32 to index
        %get3A_295 = arith.constant 0 : index
        %get3A_296 = tpu.vector_load %arg8[%get3A_294, %get3A_295] {strides = array<i32>} : memref<104x16xf32, #tpu.memory_space<vmem>>, vector<1x16xf32>,
        %get3A_297 = vector.shape_cast %get3A_296 : vector<1x16xf32> to vector<16xf32>
        %add3A_298 = arith.addf %add3A_291, %get3A_297 : vector<16xf32>
        %scan3A_299 = arith.constant 4 : i32
        %scan3A_300 = arith.addi %scan3A_271, %scan3A_299 : i32
        %get3A_301 = arith.index_cast %scan3A_300 : i32 to index
        %get3A_302 = arith.constant 0 : index
        %get3A_303 = tpu.vector_load %arg8[%get3A_301, %get3A_302] {strides = array<i32>} : memref<104x16xf32, #tpu.memory_space<vmem>>, vector<1x16xf32>,
        %get3A_304 = vector.shape_cast %get3A_303 : vector<1x16xf32> to vector<16xf32>
        %add3A_305 = arith.addf %add3A_298, %get3A_304 : vector<16xf32>
        %scan3A_306 = arith.constant 5 : i32
        %scan3A_307 = arith.addi %scan3A_271, %scan3A_306 : i32
        %get3A_308 = arith.index_cast %scan3A_307 : i32 to index
        %get3A_309 = arith.constant 0 : index
        %get3A_310 = tpu.vector_load %arg8[%get3A_308, %get3A_309] {strides = array<i32>} : memref<104x16xf32, #tpu.memory_space<vmem>>, vector<1x16xf32>,
        %get3A_311 = vector.shape_cast %get3A_310 : vector<1x16xf32> to vector<16xf32>
        %add3A_312 = arith.addf %add3A_305, %get3A_311 : vector<16xf32>
        %scan3A_313 = arith.constant 6 : i32
        %scan3A_314 = arith.addi %scan3A_271, %scan3A_313 : i32
        %get3A_315 = arith.index_cast %scan3A_314 : i32 to index
        %get3A_316 = arith.constant 0 : index
        %get3A_317 = tpu.vector_load %arg8[%get3A_315, %get3A_316] {strides = array<i32>} : memref<104x16xf32, #tpu.memory_space<vmem>>, vector<1x16xf32>,
        %get3A_318 = vector.shape_cast %get3A_317 : vector<1x16xf32> to vector<16xf32>
        %add3A_319 = arith.addf %add3A_312, %get3A_318 : vector<16xf32>
        %scan3A_320 = arith.constant 7 : i32
        %scan3A_321 = arith.addi %scan3A_271, %scan3A_320 : i32
        %get3A_322 = arith.index_cast %scan3A_321 : i32 to index
        %get3A_323 = arith.constant 0 : index
        %get3A_324 = tpu.vector_load %arg8[%get3A_322, %get3A_323] {strides = array<i32>} : memref<104x16xf32, #tpu.memory_space<vmem>>, vector<1x16xf32>,
        %get3A_325 = vector.shape_cast %get3A_324 : vector<1x16xf32> to vector<16xf32>
        %add3A_326 = arith.addf %add3A_319, %get3A_325 : vector<16xf32>
        scf.yield %add3A_326 : vector<16xf32>
      }
      %scan3A_129 = arith.constant 104 : i32
      %add3A_130 = arith.constant 4 : i32
      %add3A_131 = arith.addi %add3A_115, %add3A_130 : i32
      %lt3A_132 = arith.constant 128 : i32
      %lt3A_133 = arith.cmpi slt, %add3A_131, %lt3A_132 : i32
      %convert_element_type3A_134 = arith.extui %lt3A_133 : i1 to i32
      %cond3A_135 = arith.constant 0 : i32
      %cond3A_136 = arith.cmpi ne, %convert_element_type3A_134, %cond3A_135 : i32
      scf.if %cond3A_136 {
        %add3A_271 = arith.constant 4 : i32
        %add3A_272 = arith.addi %add3A_115, %add3A_271 : i32
        %dma_start3A_273 = arith.constant 0 : i32
        %dma_start3A_274 = tpu.memref_slice %arg6[%add3A_272, %dma_start3A_273] : memref<128x200xi32, #tpu.memory_space<vmem>> -> memref<1x104xi32, #tpu.memory_space<vmem>>
        %dma_start3A_275 = tpu.memref_squeeze %dma_start3A_274 : memref<1x104xi32, #tpu.memory_space<vmem>> -> memref<104xi32, #tpu.memory_space<vmem>>
        %dma_start3A_276 = arith.constant 0 : i32
        %dma_start3A_277 = arith.constant 0 : i32
        %dma_start3A_278 = tpu.memref_slice %arg3[%dma_start3A_276, %dma_start3A_277] : memref<1048576x16xf32, #tpu.memory_space<hbm>> -> memref<1048576x16xf32, #tpu.memory_space<hbm>>
        tpu.enqueue_indirect_dma source(%dma_start3A_278 : memref<1048576x16xf32, #tpu.memory_space<hbm>>) target(%arg8 : memref<104x16xf32, #tpu.memory_space<vmem>>) offsets(%dma_start3A_275 : memref<104xi32, #tpu.memory_space<vmem>>) semaphore(%arg18 : memref<!tpu.dma_semaphore, #tpu.memory_space<semaphore_mem>>)
      } else {
      }
      %dma_wait3A_137 = arith.constant 104 : i32
      %dma_wait3A_138 = tpu.memref_slice %arg6[%add3A_115, %dma_wait3A_137] : memref<128x200xi32, #tpu.memory_space<vmem>> -> memref<1x96xi32, #tpu.memory_space<vmem>>
      %dma_wait3A_139 = tpu.memref_squeeze %dma_wait3A_138 : memref<1x96xi32, #tpu.memory_space<vmem>> -> memref<96xi32, #tpu.memory_space<vmem>>
      %dma_wait3A_140 = arith.constant 0 : i32
      %dma_wait3A_141 = arith.constant 0 : i32
      %dma_wait3A_142 = tpu.memref_slice %arg3[%dma_wait3A_140, %dma_wait3A_141] : memref<1048576x16xf32, #tpu.memory_space<hbm>> -> memref<1048576x16xf32, #tpu.memory_space<hbm>>
      tpu.wait_indirect_dma semaphore(%arg22 : memref<!tpu.dma_semaphore, #tpu.memory_space<semaphore_mem>>) src(%dma_wait3A_142 : memref<1048576x16xf32, #tpu.memory_space<hbm>>) dst(%arg12 : memref<96x16xf32, #tpu.memory_space<vmem>>)
      %scan3A_143 = arith.constant 0 : i32
      %scan3A_144 = arith.constant 96 : i32
      %scan3A_145 = arith.addi %scan3A_143, %scan3A_144 : i32
      %scan3A_146 = arith.constant 8 : i32
      %scan3A_147 = scf.for %scan3A_271 = %scan3A_143 to %scan3A_145 step %scan3A_146 iter_args(%scan3A_272 = %scan3A_128) -> (vector<16xf32>)  : i32 {
        %get3A_273 = arith.index_cast %scan3A_271 : i32 to index
        %get3A_274 = arith.constant 0 : index
        %get3A_275 = tpu.vector_load %arg12[%get3A_273, %get3A_274] {strides = array<i32>} : memref<96x16xf32, #tpu.memory_space<vmem>>, vector<1x16xf32>,
        %get3A_276 = vector.shape_cast %get3A_275 : vector<1x16xf32> to vector<16xf32>
        %add3A_277 = arith.addf %scan3A_272, %get3A_276 : vector<16xf32>
        %scan3A_278 = arith.constant 1 : i32
        %scan3A_279 = arith.addi %scan3A_271, %scan3A_278 : i32
        %get3A_280 = arith.index_cast %scan3A_279 : i32 to index
        %get3A_281 = arith.constant 0 : index
        %get3A_282 = tpu.vector_load %arg12[%get3A_280, %get3A_281] {strides = array<i32>} : memref<96x16xf32, #tpu.memory_space<vmem>>, vector<1x16xf32>,
        %get3A_283 = vector.shape_cast %get3A_282 : vector<1x16xf32> to vector<16xf32>
        %add3A_284 = arith.addf %add3A_277, %get3A_283 : vector<16xf32>
        %scan3A_285 = arith.constant 2 : i32
        %scan3A_286 = arith.addi %scan3A_271, %scan3A_285 : i32
        %get3A_287 = arith.index_cast %scan3A_286 : i32 to index
        %get3A_288 = arith.constant 0 : index
        %get3A_289 = tpu.vector_load %arg12[%get3A_287, %get3A_288] {strides = array<i32>} : memref<96x16xf32, #tpu.memory_space<vmem>>, vector<1x16xf32>,
        %get3A_290 = vector.shape_cast %get3A_289 : vector<1x16xf32> to vector<16xf32>
        %add3A_291 = arith.addf %add3A_284, %get3A_290 : vector<16xf32>
        %scan3A_292 = arith.constant 3 : i32
        %scan3A_293 = arith.addi %scan3A_271, %scan3A_292 : i32
        %get3A_294 = arith.index_cast %scan3A_293 : i32 to index
        %get3A_295 = arith.constant 0 : index
        %get3A_296 = tpu.vector_load %arg12[%get3A_294, %get3A_295] {strides = array<i32>} : memref<96x16xf32, #tpu.memory_space<vmem>>, vector<1x16xf32>,
        %get3A_297 = vector.shape_cast %get3A_296 : vector<1x16xf32> to vector<16xf32>
        %add3A_298 = arith.addf %add3A_291, %get3A_297 : vector<16xf32>
        %scan3A_299 = arith.constant 4 : i32
        %scan3A_300 = arith.addi %scan3A_271, %scan3A_299 : i32
        %get3A_301 = arith.index_cast %scan3A_300 : i32 to index
        %get3A_302 = arith.constant 0 : index
        %get3A_303 = tpu.vector_load %arg12[%get3A_301, %get3A_302] {strides = array<i32>} : memref<96x16xf32, #tpu.memory_space<vmem>>, vector<1x16xf32>,
        %get3A_304 = vector.shape_cast %get3A_303 : vector<1x16xf32> to vector<16xf32>
        %add3A_305 = arith.addf %add3A_298, %get3A_304 : vector<16xf32>
        %scan3A_306 = arith.constant 5 : i32
        %scan3A_307 = arith.addi %scan3A_271, %scan3A_306 : i32
        %get3A_308 = arith.index_cast %scan3A_307 : i32 to index
        %get3A_309 = arith.constant 0 : index
        %get3A_310 = tpu.vector_load %arg12[%get3A_308, %get3A_309] {strides = array<i32>} : memref<96x16xf32, #tpu.memory_space<vmem>>, vector<1x16xf32>,
        %get3A_311 = vector.shape_cast %get3A_310 : vector<1x16xf32> to vector<16xf32>
        %add3A_312 = arith.addf %add3A_305, %get3A_311 : vector<16xf32>
        %scan3A_313 = arith.constant 6 : i32
        %scan3A_314 = arith.addi %scan3A_271, %scan3A_313 : i32
        %get3A_315 = arith.index_cast %scan3A_314 : i32 to index
        %get3A_316 = arith.constant 0 : index
        %get3A_317 = tpu.vector_load %arg12[%get3A_315, %get3A_316] {strides = array<i32>} : memref<96x16xf32, #tpu.memory_space<vmem>>, vector<1x16xf32>,
        %get3A_318 = vector.shape_cast %get3A_317 : vector<1x16xf32> to vector<16xf32>
        %add3A_319 = arith.addf %add3A_312, %get3A_318 : vector<16xf32>
        %scan3A_320 = arith.constant 7 : i32
        %scan3A_321 = arith.addi %scan3A_271, %scan3A_320 : i32
        %get3A_322 = arith.index_cast %scan3A_321 : i32 to index
        %get3A_323 = arith.constant 0 : index
        %get3A_324 = tpu.vector_load %arg12[%get3A_322, %get3A_323] {strides = array<i32>} : memref<96x16xf32, #tpu.memory_space<vmem>>, vector<1x16xf32>,
        %get3A_325 = vector.shape_cast %get3A_324 : vector<1x16xf32> to vector<16xf32>
        %add3A_326 = arith.addf %add3A_319, %get3A_325 : vector<16xf32>
        scf.yield %add3A_326 : vector<16xf32>
      }
      %scan3A_148 = arith.constant 96 : i32
      %add3A_149 = arith.constant 4 : i32
      %add3A_150 = arith.addi %add3A_115, %add3A_149 : i32
      %lt3A_151 = arith.constant 128 : i32
      %lt3A_152 = arith.cmpi slt, %add3A_150, %lt3A_151 : i32
      %convert_element_type3A_153 = arith.extui %lt3A_152 : i1 to i32
      %cond3A_154 = arith.constant 0 : i32
      %cond3A_155 = arith.cmpi ne, %convert_element_type3A_153, %cond3A_154 : i32
      scf.if %cond3A_155 {
        %add3A_271 = arith.constant 4 : i32
        %add3A_272 = arith.addi %add3A_115, %add3A_271 : i32
        %dma_start3A_273 = arith.constant 104 : i32
        %dma_start3A_274 = tpu.memref_slice %arg6[%add3A_272, %dma_start3A_273] : memref<128x200xi32, #tpu.memory_space<vmem>> -> memref<1x96xi32, #tpu.memory_space<vmem>>
        %dma_start3A_275 = tpu.memref_squeeze %dma_start3A_274 : memref<1x96xi32, #tpu.memory_space<vmem>> -> memref<96xi32, #tpu.memory_space<vmem>>
        %dma_start3A_276 = arith.constant 0 : i32
        %dma_start3A_277 = arith.constant 0 : i32
        %dma_start3A_278 = tpu.memref_slice %arg3[%dma_start3A_276, %dma_start3A_277] : memref<1048576x16xf32, #tpu.memory_space<hbm>> -> memref<1048576x16xf32, #tpu.memory_space<hbm>>
        tpu.enqueue_indirect_dma source(%dma_start3A_278 : memref<1048576x16xf32, #tpu.memory_space<hbm>>) target(%arg12 : memref<96x16xf32, #tpu.memory_space<vmem>>) offsets(%dma_start3A_275 : memref<96xi32, #tpu.memory_space<vmem>>) semaphore(%arg22 : memref<!tpu.dma_semaphore, #tpu.memory_space<semaphore_mem>>)
      } else {
      }
      %mul3A_156 = arith.constant 5.000000e-03 : f32
      %mul3A_157 = vector.broadcast %mul3A_156 : f32 to vector<16xf32>
      %mul3A_158 = arith.mulf %scan3A_147, %mul3A_157 : vector<16xf32>
      %add3A_159 = arith.addf %mul3A_158, %get3A_4 : vector<16xf32>
      %swap3A_160 = arith.index_cast %add3A_115 : i32 to index
      %swap3A_161 = arith.constant 0 : index
      %swap3A_162 = tpu.vector_load %arg15[%swap3A_160, %swap3A_161] {strides = array<i32>} : memref<128x16xf32, #tpu.memory_space<vmem>>, vector<1x16xf32>,
      %swap3A_163 = vector.shape_cast %swap3A_162 : vector<1x16xf32> to vector<16xf32>
      %swap3A_164 = vector.shape_cast %add3A_159 : vector<16xf32> to vector<1x16xf32>
      tpu.vector_store %arg15[%swap3A_160, %swap3A_161], %swap3A_164 {strides = array<i32>} : memref<128x16xf32, #tpu.memory_space<vmem>>, vector<1x16xf32>,
      %mul3A_165 = arith.constant 4 : i32
      %mul3A_166 = arith.muli %mul3A_165, %scan3A_64 : i32
      %add3A_167 = arith.constant 2 : i32
      %add3A_168 = arith.addi %mul3A_166, %add3A_167 : i32
      %dma_wait3A_169 = arith.constant 0 : i32
      %dma_wait3A_170 = tpu.memref_slice %arg6[%add3A_168, %dma_wait3A_169] : memref<128x200xi32, #tpu.memory_space<vmem>> -> memref<1x104xi32, #tpu.memory_space<vmem>>
      %dma_wait3A_171 = tpu.memref_squeeze %dma_wait3A_170 : memref<1x104xi32, #tpu.memory_space<vmem>> -> memref<104xi32, #tpu.memory_space<vmem>>
      %dma_wait3A_172 = arith.constant 0 : i32
      %dma_wait3A_173 = arith.constant 0 : i32
      %dma_wait3A_174 = tpu.memref_slice %arg3[%dma_wait3A_172, %dma_wait3A_173] : memref<1048576x16xf32, #tpu.memory_space<hbm>> -> memref<1048576x16xf32, #tpu.memory_space<hbm>>
      tpu.wait_indirect_dma semaphore(%arg19 : memref<!tpu.dma_semaphore, #tpu.memory_space<semaphore_mem>>) src(%dma_wait3A_174 : memref<1048576x16xf32, #tpu.memory_space<hbm>>) dst(%arg9 : memref<104x16xf32, #tpu.memory_space<vmem>>)
      %broadcast_in_dim3A_175 = arith.constant 0.000000e+00 : f32
      %broadcast_in_dim3A_176 = vector.broadcast %broadcast_in_dim3A_175 : f32 to vector<16xf32>
      %scan3A_177 = arith.constant 0 : i32
      %scan3A_178 = arith.constant 104 : i32
      %scan3A_179 = arith.addi %scan3A_177, %scan3A_178 : i32
      %scan3A_180 = arith.constant 8 : i32
      %scan3A_181 = scf.for %scan3A_271 = %scan3A_177 to %scan3A_179 step %scan3A_180 iter_args(%scan3A_272 = %broadcast_in_dim3A_176) -> (vector<16xf32>)  : i32 {
        %get3A_273 = arith.index_cast %scan3A_271 : i32 to index
        %get3A_274 = arith.constant 0 : index
        %get3A_275 = tpu.vector_load %arg9[%get3A_273, %get3A_274] {strides = array<i32>} : memref<104x16xf32, #tpu.memory_space<vmem>>, vector<1x16xf32>,
        %get3A_276 = vector.shape_cast %get3A_275 : vector<1x16xf32> to vector<16xf32>
        %add3A_277 = arith.addf %scan3A_272, %get3A_276 : vector<16xf32>
        %scan3A_278 = arith.constant 1 : i32
        %scan3A_279 = arith.addi %scan3A_271, %scan3A_278 : i32
        %get3A_280 = arith.index_cast %scan3A_279 : i32 to index
        %get3A_281 = arith.constant 0 : index
        %get3A_282 = tpu.vector_load %arg9[%get3A_280, %get3A_281] {strides = array<i32>} : memref<104x16xf32, #tpu.memory_space<vmem>>, vector<1x16xf32>,
        %get3A_283 = vector.shape_cast %get3A_282 : vector<1x16xf32> to vector<16xf32>
        %add3A_284 = arith.addf %add3A_277, %get3A_283 : vector<16xf32>
        %scan3A_285 = arith.constant 2 : i32
        %scan3A_286 = arith.addi %scan3A_271, %scan3A_285 : i32
        %get3A_287 = arith.index_cast %scan3A_286 : i32 to index
        %get3A_288 = arith.constant 0 : index
        %get3A_289 = tpu.vector_load %arg9[%get3A_287, %get3A_288] {strides = array<i32>} : memref<104x16xf32, #tpu.memory_space<vmem>>, vector<1x16xf32>,
        %get3A_290 = vector.shape_cast %get3A_289 : vector<1x16xf32> to vector<16xf32>
        %add3A_291 = arith.addf %add3A_284, %get3A_290 : vector<16xf32>
        %scan3A_292 = arith.constant 3 : i32
        %scan3A_293 = arith.addi %scan3A_271, %scan3A_292 : i32
        %get3A_294 = arith.index_cast %scan3A_293 : i32 to index
        %get3A_295 = arith.constant 0 : index
        %get3A_296 = tpu.vector_load %arg9[%get3A_294, %get3A_295] {strides = array<i32>} : memref<104x16xf32, #tpu.memory_space<vmem>>, vector<1x16xf32>,
        %get3A_297 = vector.shape_cast %get3A_296 : vector<1x16xf32> to vector<16xf32>
        %add3A_298 = arith.addf %add3A_291, %get3A_297 : vector<16xf32>
        %scan3A_299 = arith.constant 4 : i32
        %scan3A_300 = arith.addi %scan3A_271, %scan3A_299 : i32
        %get3A_301 = arith.index_cast %scan3A_300 : i32 to index
        %get3A_302 = arith.constant 0 : index
        %get3A_303 = tpu.vector_load %arg9[%get3A_301, %get3A_302] {strides = array<i32>} : memref<104x16xf32, #tpu.memory_space<vmem>>, vector<1x16xf32>,
        %get3A_304 = vector.shape_cast %get3A_303 : vector<1x16xf32> to vector<16xf32>
        %add3A_305 = arith.addf %add3A_298, %get3A_304 : vector<16xf32>
        %scan3A_306 = arith.constant 5 : i32
        %scan3A_307 = arith.addi %scan3A_271, %scan3A_306 : i32
        %get3A_308 = arith.index_cast %scan3A_307 : i32 to index
        %get3A_309 = arith.constant 0 : index
        %get3A_310 = tpu.vector_load %arg9[%get3A_308, %get3A_309] {strides = array<i32>} : memref<104x16xf32, #tpu.memory_space<vmem>>, vector<1x16xf32>,
        %get3A_311 = vector.shape_cast %get3A_310 : vector<1x16xf32> to vector<16xf32>
        %add3A_312 = arith.addf %add3A_305, %get3A_311 : vector<16xf32>
        %scan3A_313 = arith.constant 6 : i32
        %scan3A_314 = arith.addi %scan3A_271, %scan3A_313 : i32
        %get3A_315 = arith.index_cast %scan3A_314 : i32 to index
        %get3A_316 = arith.constant 0 : index
        %get3A_317 = tpu.vector_load %arg9[%get3A_315, %get3A_316] {strides = array<i32>} : memref<104x16xf32, #tpu.memory_space<vmem>>, vector<1x16xf32>,
        %get3A_318 = vector.shape_cast %get3A_317 : vector<1x16xf32> to vector<16xf32>
        %add3A_319 = arith.addf %add3A_312, %get3A_318 : vector<16xf32>
        %scan3A_320 = arith.constant 7 : i32
        %scan3A_321 = arith.addi %scan3A_271, %scan3A_320 : i32
        %get3A_322 = arith.index_cast %scan3A_321 : i32 to index
        %get3A_323 = arith.constant 0 : index
        %get3A_324 = tpu.vector_load %arg9[%get3A_322, %get3A_323] {strides = array<i32>} : memref<104x16xf32, #tpu.memory_space<vmem>>, vector<1x16xf32>,
        %get3A_325 = vector.shape_cast %get3A_324 : vector<1x16xf32> to vector<16xf32>
        %add3A_326 = arith.addf %add3A_319, %get3A_325 : vector<16xf32>
        scf.yield %add3A_326 : vector<16xf32>
      }
      %scan3A_182 = arith.constant 104 : i32
      %add3A_183 = arith.constant 4 : i32
      %add3A_184 = arith.addi %add3A_168, %add3A_183 : i32
      %lt3A_185 = arith.constant 128 : i32
      %lt3A_186 = arith.cmpi slt, %add3A_184, %lt3A_185 : i32
      %convert_element_type3A_187 = arith.extui %lt3A_186 : i1 to i32
      %cond3A_188 = arith.constant 0 : i32
      %cond3A_189 = arith.cmpi ne, %convert_element_type3A_187, %cond3A_188 : i32
      scf.if %cond3A_189 {
        %add3A_271 = arith.constant 4 : i32
        %add3A_272 = arith.addi %add3A_168, %add3A_271 : i32
        %dma_start3A_273 = arith.constant 0 : i32
        %dma_start3A_274 = tpu.memref_slice %arg6[%add3A_272, %dma_start3A_273] : memref<128x200xi32, #tpu.memory_space<vmem>> -> memref<1x104xi32, #tpu.memory_space<vmem>>
        %dma_start3A_275 = tpu.memref_squeeze %dma_start3A_274 : memref<1x104xi32, #tpu.memory_space<vmem>> -> memref<104xi32, #tpu.memory_space<vmem>>
        %dma_start3A_276 = arith.constant 0 : i32
        %dma_start3A_277 = arith.constant 0 : i32
        %dma_start3A_278 = tpu.memref_slice %arg3[%dma_start3A_276, %dma_start3A_277] : memref<1048576x16xf32, #tpu.memory_space<hbm>> -> memref<1048576x16xf32, #tpu.memory_space<hbm>>
        tpu.enqueue_indirect_dma source(%dma_start3A_278 : memref<1048576x16xf32, #tpu.memory_space<hbm>>) target(%arg9 : memref<104x16xf32, #tpu.memory_space<vmem>>) offsets(%dma_start3A_275 : memref<104xi32, #tpu.memory_space<vmem>>) semaphore(%arg19 : memref<!tpu.dma_semaphore, #tpu.memory_space<semaphore_mem>>)
      } else {
      }
      %dma_wait3A_190 = arith.constant 104 : i32
      %dma_wait3A_191 = tpu.memref_slice %arg6[%add3A_168, %dma_wait3A_190] : memref<128x200xi32, #tpu.memory_space<vmem>> -> memref<1x96xi32, #tpu.memory_space<vmem>>
      %dma_wait3A_192 = tpu.memref_squeeze %dma_wait3A_191 : memref<1x96xi32, #tpu.memory_space<vmem>> -> memref<96xi32, #tpu.memory_space<vmem>>
      %dma_wait3A_193 = arith.constant 0 : i32
      %dma_wait3A_194 = arith.constant 0 : i32
      %dma_wait3A_195 = tpu.memref_slice %arg3[%dma_wait3A_193, %dma_wait3A_194] : memref<1048576x16xf32, #tpu.memory_space<hbm>> -> memref<1048576x16xf32, #tpu.memory_space<hbm>>
      tpu.wait_indirect_dma semaphore(%arg23 : memref<!tpu.dma_semaphore, #tpu.memory_space<semaphore_mem>>) src(%dma_wait3A_195 : memref<1048576x16xf32, #tpu.memory_space<hbm>>) dst(%arg13 : memref<96x16xf32, #tpu.memory_space<vmem>>)
      %scan3A_196 = arith.constant 0 : i32
      %scan3A_197 = arith.constant 96 : i32
      %scan3A_198 = arith.addi %scan3A_196, %scan3A_197 : i32
      %scan3A_199 = arith.constant 8 : i32
      %scan3A_200 = scf.for %scan3A_271 = %scan3A_196 to %scan3A_198 step %scan3A_199 iter_args(%scan3A_272 = %scan3A_181) -> (vector<16xf32>)  : i32 {
        %get3A_273 = arith.index_cast %scan3A_271 : i32 to index
        %get3A_274 = arith.constant 0 : index
        %get3A_275 = tpu.vector_load %arg13[%get3A_273, %get3A_274] {strides = array<i32>} : memref<96x16xf32, #tpu.memory_space<vmem>>, vector<1x16xf32>,
        %get3A_276 = vector.shape_cast %get3A_275 : vector<1x16xf32> to vector<16xf32>
        %add3A_277 = arith.addf %scan3A_272, %get3A_276 : vector<16xf32>
        %scan3A_278 = arith.constant 1 : i32
        %scan3A_279 = arith.addi %scan3A_271, %scan3A_278 : i32
        %get3A_280 = arith.index_cast %scan3A_279 : i32 to index
        %get3A_281 = arith.constant 0 : index
        %get3A_282 = tpu.vector_load %arg13[%get3A_280, %get3A_281] {strides = array<i32>} : memref<96x16xf32, #tpu.memory_space<vmem>>, vector<1x16xf32>,
        %get3A_283 = vector.shape_cast %get3A_282 : vector<1x16xf32> to vector<16xf32>
        %add3A_284 = arith.addf %add3A_277, %get3A_283 : vector<16xf32>
        %scan3A_285 = arith.constant 2 : i32
        %scan3A_286 = arith.addi %scan3A_271, %scan3A_285 : i32
        %get3A_287 = arith.index_cast %scan3A_286 : i32 to index
        %get3A_288 = arith.constant 0 : index
        %get3A_289 = tpu.vector_load %arg13[%get3A_287, %get3A_288] {strides = array<i32>} : memref<96x16xf32, #tpu.memory_space<vmem>>, vector<1x16xf32>,
        %get3A_290 = vector.shape_cast %get3A_289 : vector<1x16xf32> to vector<16xf32>
        %add3A_291 = arith.addf %add3A_284, %get3A_290 : vector<16xf32>
        %scan3A_292 = arith.constant 3 : i32
        %scan3A_293 = arith.addi %scan3A_271, %scan3A_292 : i32
        %get3A_294 = arith.index_cast %scan3A_293 : i32 to index
        %get3A_295 = arith.constant 0 : index
        %get3A_296 = tpu.vector_load %arg13[%get3A_294, %get3A_295] {strides = array<i32>} : memref<96x16xf32, #tpu.memory_space<vmem>>, vector<1x16xf32>,
        %get3A_297 = vector.shape_cast %get3A_296 : vector<1x16xf32> to vector<16xf32>
        %add3A_298 = arith.addf %add3A_291, %get3A_297 : vector<16xf32>
        %scan3A_299 = arith.constant 4 : i32
        %scan3A_300 = arith.addi %scan3A_271, %scan3A_299 : i32
        %get3A_301 = arith.index_cast %scan3A_300 : i32 to index
        %get3A_302 = arith.constant 0 : index
        %get3A_303 = tpu.vector_load %arg13[%get3A_301, %get3A_302] {strides = array<i32>} : memref<96x16xf32, #tpu.memory_space<vmem>>, vector<1x16xf32>,
        %get3A_304 = vector.shape_cast %get3A_303 : vector<1x16xf32> to vector<16xf32>
        %add3A_305 = arith.addf %add3A_298, %get3A_304 : vector<16xf32>
        %scan3A_306 = arith.constant 5 : i32
        %scan3A_307 = arith.addi %scan3A_271, %scan3A_306 : i32
        %get3A_308 = arith.index_cast %scan3A_307 : i32 to index
        %get3A_309 = arith.constant 0 : index
        %get3A_310 = tpu.vector_load %arg13[%get3A_308, %get3A_309] {strides = array<i32>} : memref<96x16xf32, #tpu.memory_space<vmem>>, vector<1x16xf32>,
        %get3A_311 = vector.shape_cast %get3A_310 : vector<1x16xf32> to vector<16xf32>
        %add3A_312 = arith.addf %add3A_305, %get3A_311 : vector<16xf32>
        %scan3A_313 = arith.constant 6 : i32
        %scan3A_314 = arith.addi %scan3A_271, %scan3A_313 : i32
        %get3A_315 = arith.index_cast %scan3A_314 : i32 to index
        %get3A_316 = arith.constant 0 : index
        %get3A_317 = tpu.vector_load %arg13[%get3A_315, %get3A_316] {strides = array<i32>} : memref<96x16xf32, #tpu.memory_space<vmem>>, vector<1x16xf32>,
        %get3A_318 = vector.shape_cast %get3A_317 : vector<1x16xf32> to vector<16xf32>
        %add3A_319 = arith.addf %add3A_312, %get3A_318 : vector<16xf32>
        %scan3A_320 = arith.constant 7 : i32
        %scan3A_321 = arith.addi %scan3A_271, %scan3A_320 : i32
        %get3A_322 = arith.index_cast %scan3A_321 : i32 to index
        %get3A_323 = arith.constant 0 : index
        %get3A_324 = tpu.vector_load %arg13[%get3A_322, %get3A_323] {strides = array<i32>} : memref<96x16xf32, #tpu.memory_space<vmem>>, vector<1x16xf32>,
        %get3A_325 = vector.shape_cast %get3A_324 : vector<1x16xf32> to vector<16xf32>
        %add3A_326 = arith.addf %add3A_319, %get3A_325 : vector<16xf32>
        scf.yield %add3A_326 : vector<16xf32>
      }
      %scan3A_201 = arith.constant 96 : i32
      %add3A_202 = arith.constant 4 : i32
      %add3A_203 = arith.addi %add3A_168, %add3A_202 : i32
      %lt3A_204 = arith.constant 128 : i32
      %lt3A_205 = arith.cmpi slt, %add3A_203, %lt3A_204 : i32
      %convert_element_type3A_206 = arith.extui %lt3A_205 : i1 to i32
      %cond3A_207 = arith.constant 0 : i32
      %cond3A_208 = arith.cmpi ne, %convert_element_type3A_206, %cond3A_207 : i32
      scf.if %cond3A_208 {
        %add3A_271 = arith.constant 4 : i32
        %add3A_272 = arith.addi %add3A_168, %add3A_271 : i32
        %dma_start3A_273 = arith.constant 104 : i32
        %dma_start3A_274 = tpu.memref_slice %arg6[%add3A_272, %dma_start3A_273] : memref<128x200xi32, #tpu.memory_space<vmem>> -> memref<1x96xi32, #tpu.memory_space<vmem>>
        %dma_start3A_275 = tpu.memref_squeeze %dma_start3A_274 : memref<1x96xi32, #tpu.memory_space<vmem>> -> memref<96xi32, #tpu.memory_space<vmem>>
        %dma_start3A_276 = arith.constant 0 : i32
        %dma_start3A_277 = arith.constant 0 : i32
        %dma_start3A_278 = tpu.memref_slice %arg3[%dma_start3A_276, %dma_start3A_277] : memref<1048576x16xf32, #tpu.memory_space<hbm>> -> memref<1048576x16xf32, #tpu.memory_space<hbm>>
        tpu.enqueue_indirect_dma source(%dma_start3A_278 : memref<1048576x16xf32, #tpu.memory_space<hbm>>) target(%arg13 : memref<96x16xf32, #tpu.memory_space<vmem>>) offsets(%dma_start3A_275 : memref<96xi32, #tpu.memory_space<vmem>>) semaphore(%arg23 : memref<!tpu.dma_semaphore, #tpu.memory_space<semaphore_mem>>)
      } else {
      }
      %mul3A_209 = arith.constant 5.000000e-03 : f32
      %mul3A_210 = vector.broadcast %mul3A_209 : f32 to vector<16xf32>
      %mul3A_211 = arith.mulf %scan3A_200, %mul3A_210 : vector<16xf32>
      %add3A_212 = arith.addf %mul3A_211, %get3A_4 : vector<16xf32>
      %swap3A_213 = arith.index_cast %add3A_168 : i32 to index
      %swap3A_214 = arith.constant 0 : index
      %swap3A_215 = tpu.vector_load %arg15[%swap3A_213, %swap3A_214] {strides = array<i32>} : memref<128x16xf32, #tpu.memory_space<vmem>>, vector<1x16xf32>,
      %swap3A_216 = vector.shape_cast %swap3A_215 : vector<1x16xf32> to vector<16xf32>
      %swap3A_217 = vector.shape_cast %add3A_212 : vector<16xf32> to vector<1x16xf32>
      tpu.vector_store %arg15[%swap3A_213, %swap3A_214], %swap3A_217 {strides = array<i32>} : memref<128x16xf32, #tpu.memory_space<vmem>>, vector<1x16xf32>,
      %mul3A_218 = arith.constant 4 : i32
      %mul3A_219 = arith.muli %mul3A_218, %scan3A_64 : i32
      %add3A_220 = arith.constant 3 : i32
      %add3A_221 = arith.addi %mul3A_219, %add3A_220 : i32
      %dma_wait3A_222 = arith.constant 0 : i32
      %dma_wait3A_223 = tpu.memref_slice %arg6[%add3A_221, %dma_wait3A_222] : memref<128x200xi32, #tpu.memory_space<vmem>> -> memref<1x104xi32, #tpu.memory_space<vmem>>
      %dma_wait3A_224 = tpu.memref_squeeze %dma_wait3A_223 : memref<1x104xi32, #tpu.memory_space<vmem>> -> memref<104xi32, #tpu.memory_space<vmem>>
      %dma_wait3A_225 = arith.constant 0 : i32
      %dma_wait3A_226 = arith.constant 0 : i32
      %dma_wait3A_227 = tpu.memref_slice %arg3[%dma_wait3A_225, %dma_wait3A_226] : memref<1048576x16xf32, #tpu.memory_space<hbm>> -> memref<1048576x16xf32, #tpu.memory_space<hbm>>
      tpu.wait_indirect_dma semaphore(%arg20 : memref<!tpu.dma_semaphore, #tpu.memory_space<semaphore_mem>>) src(%dma_wait3A_227 : memref<1048576x16xf32, #tpu.memory_space<hbm>>) dst(%arg10 : memref<104x16xf32, #tpu.memory_space<vmem>>)
      %broadcast_in_dim3A_228 = arith.constant 0.000000e+00 : f32
      %broadcast_in_dim3A_229 = vector.broadcast %broadcast_in_dim3A_228 : f32 to vector<16xf32>
      %scan3A_230 = arith.constant 0 : i32
      %scan3A_231 = arith.constant 104 : i32
      %scan3A_232 = arith.addi %scan3A_230, %scan3A_231 : i32
      %scan3A_233 = arith.constant 8 : i32
      %scan3A_234 = scf.for %scan3A_271 = %scan3A_230 to %scan3A_232 step %scan3A_233 iter_args(%scan3A_272 = %broadcast_in_dim3A_229) -> (vector<16xf32>)  : i32 {
        %get3A_273 = arith.index_cast %scan3A_271 : i32 to index
        %get3A_274 = arith.constant 0 : index
        %get3A_275 = tpu.vector_load %arg10[%get3A_273, %get3A_274] {strides = array<i32>} : memref<104x16xf32, #tpu.memory_space<vmem>>, vector<1x16xf32>,
        %get3A_276 = vector.shape_cast %get3A_275 : vector<1x16xf32> to vector<16xf32>
        %add3A_277 = arith.addf %scan3A_272, %get3A_276 : vector<16xf32>
        %scan3A_278 = arith.constant 1 : i32
        %scan3A_279 = arith.addi %scan3A_271, %scan3A_278 : i32
        %get3A_280 = arith.index_cast %scan3A_279 : i32 to index
        %get3A_281 = arith.constant 0 : index
        %get3A_282 = tpu.vector_load %arg10[%get3A_280, %get3A_281] {strides = array<i32>} : memref<104x16xf32, #tpu.memory_space<vmem>>, vector<1x16xf32>,
        %get3A_283 = vector.shape_cast %get3A_282 : vector<1x16xf32> to vector<16xf32>
        %add3A_284 = arith.addf %add3A_277, %get3A_283 : vector<16xf32>
        %scan3A_285 = arith.constant 2 : i32
        %scan3A_286 = arith.addi %scan3A_271, %scan3A_285 : i32
        %get3A_287 = arith.index_cast %scan3A_286 : i32 to index
        %get3A_288 = arith.constant 0 : index
        %get3A_289 = tpu.vector_load %arg10[%get3A_287, %get3A_288] {strides = array<i32>} : memref<104x16xf32, #tpu.memory_space<vmem>>, vector<1x16xf32>,
        %get3A_290 = vector.shape_cast %get3A_289 : vector<1x16xf32> to vector<16xf32>
        %add3A_291 = arith.addf %add3A_284, %get3A_290 : vector<16xf32>
        %scan3A_292 = arith.constant 3 : i32
        %scan3A_293 = arith.addi %scan3A_271, %scan3A_292 : i32
        %get3A_294 = arith.index_cast %scan3A_293 : i32 to index
        %get3A_295 = arith.constant 0 : index
        %get3A_296 = tpu.vector_load %arg10[%get3A_294, %get3A_295] {strides = array<i32>} : memref<104x16xf32, #tpu.memory_space<vmem>>, vector<1x16xf32>,
        %get3A_297 = vector.shape_cast %get3A_296 : vector<1x16xf32> to vector<16xf32>
        %add3A_298 = arith.addf %add3A_291, %get3A_297 : vector<16xf32>
        %scan3A_299 = arith.constant 4 : i32
        %scan3A_300 = arith.addi %scan3A_271, %scan3A_299 : i32
        %get3A_301 = arith.index_cast %scan3A_300 : i32 to index
        %get3A_302 = arith.constant 0 : index
        %get3A_303 = tpu.vector_load %arg10[%get3A_301, %get3A_302] {strides = array<i32>} : memref<104x16xf32, #tpu.memory_space<vmem>>, vector<1x16xf32>,
        %get3A_304 = vector.shape_cast %get3A_303 : vector<1x16xf32> to vector<16xf32>
        %add3A_305 = arith.addf %add3A_298, %get3A_304 : vector<16xf32>
        %scan3A_306 = arith.constant 5 : i32
        %scan3A_307 = arith.addi %scan3A_271, %scan3A_306 : i32
        %get3A_308 = arith.index_cast %scan3A_307 : i32 to index
        %get3A_309 = arith.constant 0 : index
        %get3A_310 = tpu.vector_load %arg10[%get3A_308, %get3A_309] {strides = array<i32>} : memref<104x16xf32, #tpu.memory_space<vmem>>, vector<1x16xf32>,
        %get3A_311 = vector.shape_cast %get3A_310 : vector<1x16xf32> to vector<16xf32>
        %add3A_312 = arith.addf %add3A_305, %get3A_311 : vector<16xf32>
        %scan3A_313 = arith.constant 6 : i32
        %scan3A_314 = arith.addi %scan3A_271, %scan3A_313 : i32
        %get3A_315 = arith.index_cast %scan3A_314 : i32 to index
        %get3A_316 = arith.constant 0 : index
        %get3A_317 = tpu.vector_load %arg10[%get3A_315, %get3A_316] {strides = array<i32>} : memref<104x16xf32, #tpu.memory_space<vmem>>, vector<1x16xf32>,
        %get3A_318 = vector.shape_cast %get3A_317 : vector<1x16xf32> to vector<16xf32>
        %add3A_319 = arith.addf %add3A_312, %get3A_318 : vector<16xf32>
        %scan3A_320 = arith.constant 7 : i32
        %scan3A_321 = arith.addi %scan3A_271, %scan3A_320 : i32
        %get3A_322 = arith.index_cast %scan3A_321 : i32 to index
        %get3A_323 = arith.constant 0 : index
        %get3A_324 = tpu.vector_load %arg10[%get3A_322, %get3A_323] {strides = array<i32>} : memref<104x16xf32, #tpu.memory_space<vmem>>, vector<1x16xf32>,
        %get3A_325 = vector.shape_cast %get3A_324 : vector<1x16xf32> to vector<16xf32>
        %add3A_326 = arith.addf %add3A_319, %get3A_325 : vector<16xf32>
        scf.yield %add3A_326 : vector<16xf32>
      }
      %scan3A_235 = arith.constant 104 : i32
      %add3A_236 = arith.constant 4 : i32
      %add3A_237 = arith.addi %add3A_221, %add3A_236 : i32
      %lt3A_238 = arith.constant 128 : i32
      %lt3A_239 = arith.cmpi slt, %add3A_237, %lt3A_238 : i32
      %convert_element_type3A_240 = arith.extui %lt3A_239 : i1 to i32
      %cond3A_241 = arith.constant 0 : i32
      %cond3A_242 = arith.cmpi ne, %convert_element_type3A_240, %cond3A_241 : i32
      scf.if %cond3A_242 {
        %add3A_271 = arith.constant 4 : i32
        %add3A_272 = arith.addi %add3A_221, %add3A_271 : i32
        %dma_start3A_273 = arith.constant 0 : i32
        %dma_start3A_274 = tpu.memref_slice %arg6[%add3A_272, %dma_start3A_273] : memref<128x200xi32, #tpu.memory_space<vmem>> -> memref<1x104xi32, #tpu.memory_space<vmem>>
        %dma_start3A_275 = tpu.memref_squeeze %dma_start3A_274 : memref<1x104xi32, #tpu.memory_space<vmem>> -> memref<104xi32, #tpu.memory_space<vmem>>
        %dma_start3A_276 = arith.constant 0 : i32
        %dma_start3A_277 = arith.constant 0 : i32
        %dma_start3A_278 = tpu.memref_slice %arg3[%dma_start3A_276, %dma_start3A_277] : memref<1048576x16xf32, #tpu.memory_space<hbm>> -> memref<1048576x16xf32, #tpu.memory_space<hbm>>
        tpu.enqueue_indirect_dma source(%dma_start3A_278 : memref<1048576x16xf32, #tpu.memory_space<hbm>>) target(%arg10 : memref<104x16xf32, #tpu.memory_space<vmem>>) offsets(%dma_start3A_275 : memref<104xi32, #tpu.memory_space<vmem>>) semaphore(%arg20 : memref<!tpu.dma_semaphore, #tpu.memory_space<semaphore_mem>>)
      } else {
      }
      %dma_wait3A_243 = arith.constant 104 : i32
      %dma_wait3A_244 = tpu.memref_slice %arg6[%add3A_221, %dma_wait3A_243] : memref<128x200xi32, #tpu.memory_space<vmem>> -> memref<1x96xi32, #tpu.memory_space<vmem>>
      %dma_wait3A_245 = tpu.memref_squeeze %dma_wait3A_244 : memref<1x96xi32, #tpu.memory_space<vmem>> -> memref<96xi32, #tpu.memory_space<vmem>>
      %dma_wait3A_246 = arith.constant 0 : i32
      %dma_wait3A_247 = arith.constant 0 : i32
      %dma_wait3A_248 = tpu.memref_slice %arg3[%dma_wait3A_246, %dma_wait3A_247] : memref<1048576x16xf32, #tpu.memory_space<hbm>> -> memref<1048576x16xf32, #tpu.memory_space<hbm>>
      tpu.wait_indirect_dma semaphore(%arg24 : memref<!tpu.dma_semaphore, #tpu.memory_space<semaphore_mem>>) src(%dma_wait3A_248 : memref<1048576x16xf32, #tpu.memory_space<hbm>>) dst(%arg14 : memref<96x16xf32, #tpu.memory_space<vmem>>)
      %scan3A_249 = arith.constant 0 : i32
      %scan3A_250 = arith.constant 96 : i32
      %scan3A_251 = arith.addi %scan3A_249, %scan3A_250 : i32
      %scan3A_252 = arith.constant 8 : i32
      %scan3A_253 = scf.for %scan3A_271 = %scan3A_249 to %scan3A_251 step %scan3A_252 iter_args(%scan3A_272 = %scan3A_234) -> (vector<16xf32>)  : i32 {
        %get3A_273 = arith.index_cast %scan3A_271 : i32 to index
        %get3A_274 = arith.constant 0 : index
        %get3A_275 = tpu.vector_load %arg14[%get3A_273, %get3A_274] {strides = array<i32>} : memref<96x16xf32, #tpu.memory_space<vmem>>, vector<1x16xf32>,
        %get3A_276 = vector.shape_cast %get3A_275 : vector<1x16xf32> to vector<16xf32>
        %add3A_277 = arith.addf %scan3A_272, %get3A_276 : vector<16xf32>
        %scan3A_278 = arith.constant 1 : i32
        %scan3A_279 = arith.addi %scan3A_271, %scan3A_278 : i32
        %get3A_280 = arith.index_cast %scan3A_279 : i32 to index
        %get3A_281 = arith.constant 0 : index
        %get3A_282 = tpu.vector_load %arg14[%get3A_280, %get3A_281] {strides = array<i32>} : memref<96x16xf32, #tpu.memory_space<vmem>>, vector<1x16xf32>,
        %get3A_283 = vector.shape_cast %get3A_282 : vector<1x16xf32> to vector<16xf32>
        %add3A_284 = arith.addf %add3A_277, %get3A_283 : vector<16xf32>
        %scan3A_285 = arith.constant 2 : i32
        %scan3A_286 = arith.addi %scan3A_271, %scan3A_285 : i32
        %get3A_287 = arith.index_cast %scan3A_286 : i32 to index
        %get3A_288 = arith.constant 0 : index
        %get3A_289 = tpu.vector_load %arg14[%get3A_287, %get3A_288] {strides = array<i32>} : memref<96x16xf32, #tpu.memory_space<vmem>>, vector<1x16xf32>,
        %get3A_290 = vector.shape_cast %get3A_289 : vector<1x16xf32> to vector<16xf32>
        %add3A_291 = arith.addf %add3A_284, %get3A_290 : vector<16xf32>
        %scan3A_292 = arith.constant 3 : i32
        %scan3A_293 = arith.addi %scan3A_271, %scan3A_292 : i32
        %get3A_294 = arith.index_cast %scan3A_293 : i32 to index
        %get3A_295 = arith.constant 0 : index
        %get3A_296 = tpu.vector_load %arg14[%get3A_294, %get3A_295] {strides = array<i32>} : memref<96x16xf32, #tpu.memory_space<vmem>>, vector<1x16xf32>,
        %get3A_297 = vector.shape_cast %get3A_296 : vector<1x16xf32> to vector<16xf32>
        %add3A_298 = arith.addf %add3A_291, %get3A_297 : vector<16xf32>
        %scan3A_299 = arith.constant 4 : i32
        %scan3A_300 = arith.addi %scan3A_271, %scan3A_299 : i32
        %get3A_301 = arith.index_cast %scan3A_300 : i32 to index
        %get3A_302 = arith.constant 0 : index
        %get3A_303 = tpu.vector_load %arg14[%get3A_301, %get3A_302] {strides = array<i32>} : memref<96x16xf32, #tpu.memory_space<vmem>>, vector<1x16xf32>,
        %get3A_304 = vector.shape_cast %get3A_303 : vector<1x16xf32> to vector<16xf32>
        %add3A_305 = arith.addf %add3A_298, %get3A_304 : vector<16xf32>
        %scan3A_306 = arith.constant 5 : i32
        %scan3A_307 = arith.addi %scan3A_271, %scan3A_306 : i32
        %get3A_308 = arith.index_cast %scan3A_307 : i32 to index
        %get3A_309 = arith.constant 0 : index
        %get3A_310 = tpu.vector_load %arg14[%get3A_308, %get3A_309] {strides = array<i32>} : memref<96x16xf32, #tpu.memory_space<vmem>>, vector<1x16xf32>,
        %get3A_311 = vector.shape_cast %get3A_310 : vector<1x16xf32> to vector<16xf32>
        %add3A_312 = arith.addf %add3A_305, %get3A_311 : vector<16xf32>
        %scan3A_313 = arith.constant 6 : i32
        %scan3A_314 = arith.addi %scan3A_271, %scan3A_313 : i32
        %get3A_315 = arith.index_cast %scan3A_314 : i32 to index
        %get3A_316 = arith.constant 0 : index
        %get3A_317 = tpu.vector_load %arg14[%get3A_315, %get3A_316] {strides = array<i32>} : memref<96x16xf32, #tpu.memory_space<vmem>>, vector<1x16xf32>,
        %get3A_318 = vector.shape_cast %get3A_317 : vector<1x16xf32> to vector<16xf32>
        %add3A_319 = arith.addf %add3A_312, %get3A_318 : vector<16xf32>
        %scan3A_320 = arith.constant 7 : i32
        %scan3A_321 = arith.addi %scan3A_271, %scan3A_320 : i32
        %get3A_322 = arith.index_cast %scan3A_321 : i32 to index
        %get3A_323 = arith.constant 0 : index
        %get3A_324 = tpu.vector_load %arg14[%get3A_322, %get3A_323] {strides = array<i32>} : memref<96x16xf32, #tpu.memory_space<vmem>>, vector<1x16xf32>,
        %get3A_325 = vector.shape_cast %get3A_324 : vector<1x16xf32> to vector<16xf32>
        %add3A_326 = arith.addf %add3A_319, %get3A_325 : vector<16xf32>
        scf.yield %add3A_326 : vector<16xf32>
      }
      %scan3A_254 = arith.constant 96 : i32
      %add3A_255 = arith.constant 4 : i32
      %add3A_256 = arith.addi %add3A_221, %add3A_255 : i32
      %lt3A_257 = arith.constant 128 : i32
      %lt3A_258 = arith.cmpi slt, %add3A_256, %lt3A_257 : i32
      %convert_element_type3A_259 = arith.extui %lt3A_258 : i1 to i32
      %cond3A_260 = arith.constant 0 : i32
      %cond3A_261 = arith.cmpi ne, %convert_element_type3A_259, %cond3A_260 : i32
      scf.if %cond3A_261 {
        %add3A_271 = arith.constant 4 : i32
        %add3A_272 = arith.addi %add3A_221, %add3A_271 : i32
        %dma_start3A_273 = arith.constant 104 : i32
        %dma_start3A_274 = tpu.memref_slice %arg6[%add3A_272, %dma_start3A_273] : memref<128x200xi32, #tpu.memory_space<vmem>> -> memref<1x96xi32, #tpu.memory_space<vmem>>
        %dma_start3A_275 = tpu.memref_squeeze %dma_start3A_274 : memref<1x96xi32, #tpu.memory_space<vmem>> -> memref<96xi32, #tpu.memory_space<vmem>>
        %dma_start3A_276 = arith.constant 0 : i32
        %dma_start3A_277 = arith.constant 0 : i32
        %dma_start3A_278 = tpu.memref_slice %arg3[%dma_start3A_276, %dma_start3A_277] : memref<1048576x16xf32, #tpu.memory_space<hbm>> -> memref<1048576x16xf32, #tpu.memory_space<hbm>>
        tpu.enqueue_indirect_dma source(%dma_start3A_278 : memref<1048576x16xf32, #tpu.memory_space<hbm>>) target(%arg14 : memref<96x16xf32, #tpu.memory_space<vmem>>) offsets(%dma_start3A_275 : memref<96xi32, #tpu.memory_space<vmem>>) semaphore(%arg24 : memref<!tpu.dma_semaphore, #tpu.memory_space<semaphore_mem>>)
      } else {
      }
      %mul3A_262 = arith.constant 5.000000e-03 : f32
      %mul3A_263 = vector.broadcast %mul3A_262 : f32 to vector<16xf32>
      %mul3A_264 = arith.mulf %scan3A_253, %mul3A_263 : vector<16xf32>
      %add3A_265 = arith.addf %mul3A_264, %get3A_4 : vector<16xf32>
      %swap3A_266 = arith.index_cast %add3A_221 : i32 to index
      %swap3A_267 = arith.constant 0 : index
      %swap3A_268 = tpu.vector_load %arg15[%swap3A_266, %swap3A_267] {strides = array<i32>} : memref<128x16xf32, #tpu.memory_space<vmem>>, vector<1x16xf32>,
      %swap3A_269 = vector.shape_cast %swap3A_268 : vector<1x16xf32> to vector<16xf32>
      %swap3A_270 = vector.shape_cast %add3A_265 : vector<16xf32> to vector<1x16xf32>
      tpu.vector_store %arg15[%swap3A_266, %swap3A_267], %swap3A_270 {strides = array<i32>} : memref<128x16xf32, #tpu.memory_space<vmem>>, vector<1x16xf32>,
    }
    %scan3A_63 = arith.constant 32 : i32
    "tpu.region"() ({
      %run_scoped3A = tpu.sem_alloc : memref<!tpu.dma_semaphore, #tpu.memory_space<semaphore_mem>>
      %dma_start3A_64 = arith.constant 0 : i32
      %dma_start3A_65 = tpu.memref_slice %arg5[%mul3A_2, %dma_start3A_64] : memref<4096x16xf32, #tpu.memory_space<hbm>> -> memref<128x16xf32, #tpu.memory_space<hbm>>
      %dma_start3A_66 = arith.constant 0 : i32
      %dma_start3A_67 = tpu.memref_slice %arg5[%mul3A_2, %dma_start3A_66] : memref<4096x16xf32, #tpu.memory_space<hbm>> -> memref<128x16xf32, #tpu.memory_space<hbm>>
      tpu.enqueue_dma source(%arg15 : memref<128x16xf32, #tpu.memory_space<vmem>>) target(%dma_start3A_67 : memref<128x16xf32, #tpu.memory_space<hbm>>) target_semaphore(%run_scoped3A : memref<!tpu.dma_semaphore, #tpu.memory_space<semaphore_mem>>)
      %dma_wait3A = arith.constant 0 : i32
      %dma_wait3A_68 = tpu.memref_slice %arg5[%mul3A_2, %dma_wait3A] : memref<4096x16xf32, #tpu.memory_space<hbm>> -> memref<128x16xf32, #tpu.memory_space<hbm>>
      %dma_wait3A_69 = arith.constant 0 : i32
      %dma_wait3A_70 = tpu.memref_slice %arg5[%mul3A_2, %dma_wait3A_69] : memref<4096x16xf32, #tpu.memory_space<hbm>> -> memref<128x16xf32, #tpu.memory_space<hbm>>
      tpu.wait_dma2 semaphore(%run_scoped3A : memref<!tpu.dma_semaphore, #tpu.memory_space<semaphore_mem>>) src(%arg15 : memref<128x16xf32, #tpu.memory_space<vmem>>) dst(%dma_wait3A_70 : memref<128x16xf32, #tpu.memory_space<hbm>>)
      tpu.yield
    }) : () -> ()
    return
  }
}

module attributes {stable_mosaic.version = 14 : i64} {
  func.func @_proj_body(%arg0: i32, %arg1: memref<64x16384xf32, #tpu.memory_space<vmem>>, %arg2: memref<64x16xf32, #tpu.memory_space<vmem>>, %arg3: memref<2048x128xf32, #tpu.memory_space<vmem>>) attributes {dimension_semantics = [#tpu.dimension_semantics<arbitrary>], iteration_bounds = array<i64: 62>, scalar_prefetch = 0 : i64, scratch_operands = 0 : i64, tpu.core_type = #tpu.core_type<tc>, window_params = [{transform_indices = @transform_0, window_bounds = array<i64: 64, 16384>}, {pipeline_mode = #tpu.pipeline_mode<synchronous>, transform_indices = @transform_1, window_bounds = array<i64: 64, 16>}, {transform_indices = @transform_2, window_bounds = array<i64: 2048, 128>}]} {
    %get3A = arith.constant 0 : index
    %get3A_0 = arith.constant 0 : index
    %get3A_1 = vector.load %arg1[%get3A, %get3A_0] : memref<64x16384xf32, #tpu.memory_space<vmem>>, vector<64x16384xf32>
    %get3A_2 = arith.constant 0 : index
    %get3A_3 = arith.constant 0 : index
    %get3A_4 = vector.load %arg2[%get3A_2, %get3A_3] : memref<64x16xf32, #tpu.memory_space<vmem>>, vector<64x16xf32>
    %slice3A = vector.extract_strided_slice %get3A_1 {offsets = [0, 0], sizes = [64, 2048], strides = [1, 1]} : vector<64x16384xf32> to vector<64x2048xf32>
    %dot_general3A = arith.constant dense<0.000000e+00> : vector<2048x16xf32>
    %dot_general3A_5 = tpu.matmul %slice3A, %get3A_4, %dot_general3A {dimension_numbers = #tpu.dot_dimension_numbers<[0], [0], [1], [1], [0, 1, 1, 1], [], []>, transpose_lhs_hint = false} : vector<64x2048xf32>, vector<64x16xf32>, vector<2048x16xf32> -> vector<2048x16xf32>
    %slice3A_6 = vector.extract_strided_slice %get3A_1 {offsets = [0, 2048], sizes = [64, 2048], strides = [1, 1]} : vector<64x16384xf32> to vector<64x2048xf32>
    %dot_general3A_7 = arith.constant dense<0.000000e+00> : vector<2048x16xf32>
    %dot_general3A_8 = tpu.matmul %slice3A_6, %get3A_4, %dot_general3A_7 {dimension_numbers = #tpu.dot_dimension_numbers<[0], [0], [1], [1], [0, 1, 1, 1], [], []>, transpose_lhs_hint = false} : vector<64x2048xf32>, vector<64x16xf32>, vector<2048x16xf32> -> vector<2048x16xf32>
    %slice3A_9 = vector.extract_strided_slice %get3A_1 {offsets = [0, 4096], sizes = [64, 2048], strides = [1, 1]} : vector<64x16384xf32> to vector<64x2048xf32>
    %dot_general3A_10 = arith.constant dense<0.000000e+00> : vector<2048x16xf32>
    %dot_general3A_11 = tpu.matmul %slice3A_9, %get3A_4, %dot_general3A_10 {dimension_numbers = #tpu.dot_dimension_numbers<[0], [0], [1], [1], [0, 1, 1, 1], [], []>, transpose_lhs_hint = false} : vector<64x2048xf32>, vector<64x16xf32>, vector<2048x16xf32> -> vector<2048x16xf32>
    %slice3A_12 = vector.extract_strided_slice %get3A_1 {offsets = [0, 6144], sizes = [64, 2048], strides = [1, 1]} : vector<64x16384xf32> to vector<64x2048xf32>
    %dot_general3A_13 = arith.constant dense<0.000000e+00> : vector<2048x16xf32>
    %dot_general3A_14 = tpu.matmul %slice3A_12, %get3A_4, %dot_general3A_13 {dimension_numbers = #tpu.dot_dimension_numbers<[0], [0], [1], [1], [0, 1, 1, 1], [], []>, transpose_lhs_hint = false} : vector<64x2048xf32>, vector<64x16xf32>, vector<2048x16xf32> -> vector<2048x16xf32>
    %slice3A_15 = vector.extract_strided_slice %get3A_1 {offsets = [0, 8192], sizes = [64, 2048], strides = [1, 1]} : vector<64x16384xf32> to vector<64x2048xf32>
    %dot_general3A_16 = arith.constant dense<0.000000e+00> : vector<2048x16xf32>
    %dot_general3A_17 = tpu.matmul %slice3A_15, %get3A_4, %dot_general3A_16 {dimension_numbers = #tpu.dot_dimension_numbers<[0], [0], [1], [1], [0, 1, 1, 1], [], []>, transpose_lhs_hint = false} : vector<64x2048xf32>, vector<64x16xf32>, vector<2048x16xf32> -> vector<2048x16xf32>
    %slice3A_18 = vector.extract_strided_slice %get3A_1 {offsets = [0, 10240], sizes = [64, 2048], strides = [1, 1]} : vector<64x16384xf32> to vector<64x2048xf32>
    %dot_general3A_19 = arith.constant dense<0.000000e+00> : vector<2048x16xf32>
    %dot_general3A_20 = tpu.matmul %slice3A_18, %get3A_4, %dot_general3A_19 {dimension_numbers = #tpu.dot_dimension_numbers<[0], [0], [1], [1], [0, 1, 1, 1], [], []>, transpose_lhs_hint = false} : vector<64x2048xf32>, vector<64x16xf32>, vector<2048x16xf32> -> vector<2048x16xf32>
    %slice3A_21 = vector.extract_strided_slice %get3A_1 {offsets = [0, 12288], sizes = [64, 2048], strides = [1, 1]} : vector<64x16384xf32> to vector<64x2048xf32>
    %dot_general3A_22 = arith.constant dense<0.000000e+00> : vector<2048x16xf32>
    %dot_general3A_23 = tpu.matmul %slice3A_21, %get3A_4, %dot_general3A_22 {dimension_numbers = #tpu.dot_dimension_numbers<[0], [0], [1], [1], [0, 1, 1, 1], [], []>, transpose_lhs_hint = false} : vector<64x2048xf32>, vector<64x16xf32>, vector<2048x16xf32> -> vector<2048x16xf32>
    %slice3A_24 = vector.extract_strided_slice %get3A_1 {offsets = [0, 14336], sizes = [64, 2048], strides = [1, 1]} : vector<64x16384xf32> to vector<64x2048xf32>
    %dot_general3A_25 = arith.constant dense<0.000000e+00> : vector<2048x16xf32>
    %dot_general3A_26 = tpu.matmul %slice3A_24, %get3A_4, %dot_general3A_25 {dimension_numbers = #tpu.dot_dimension_numbers<[0], [0], [1], [1], [0, 1, 1, 1], [], []>, transpose_lhs_hint = false} : vector<64x2048xf32>, vector<64x16xf32>, vector<2048x16xf32> -> vector<2048x16xf32>
    %concatenate3A = tpu.concatenate %dot_general3A_5, %dot_general3A_8, %dot_general3A_11, %dot_general3A_14, %dot_general3A_17, %dot_general3A_20, %dot_general3A_23, %dot_general3A_26 in 1 : vector<2048x16xf32>, vector<2048x16xf32>, vector<2048x16xf32>, vector<2048x16xf32>, vector<2048x16xf32>, vector<2048x16xf32>, vector<2048x16xf32>, vector<2048x16xf32> -> vector<2048x128xf32>
    %swap3A = arith.constant 0 : index
    %swap3A_27 = arith.constant 0 : index
    %swap3A_28 = vector.load %arg3[%swap3A, %swap3A_27] : memref<2048x128xf32, #tpu.memory_space<vmem>>, vector<2048x128xf32>
    tpu.vector_store %arg3[%swap3A, %swap3A_27], %concatenate3A {strides = array<i32>} : memref<2048x128xf32, #tpu.memory_space<vmem>>, vector<2048x128xf32>,
    return
  }
  func.func @transform_0(%arg0: i32) -> (i32, i32) {
    %c0_i32 = arith.constant 0 : i32
    %c0_i32_0 = arith.constant 0 : i32
    return %c0_i32, %arg0 : i32, i32
  }
  func.func @transform_1(%arg0: i32) -> (i32, i32) {
    %c0_i32 = arith.constant 0 : i32
    %c0_i32_0 = arith.constant 0 : i32
    %c0_i32_1 = arith.constant 0 : i32
    return %c0_i32, %c0_i32_0 : i32, i32
  }
  func.func @transform_2(%arg0: i32) -> (i32, i32) {
    %c0_i32 = arith.constant 0 : i32
    %c0_i32_0 = arith.constant 0 : i32
    return %arg0, %c0_i32 : i32, i32
  }
}

</mosaic_0001>

<sc_bundles>
// kernel: kernel.5.cloned.1.call-start
scs
__scs_entry_jumppad:
0x0: {  	(pc) =	sbr.rel $0x88, $3  }
0x1: {  	(tag) =	ssettag $0x0;
	lr =	simm.s32 $0x1  }
0x2: {  	[smem:$0x3F9D] =	sst lr;
	_ =	strace $0xD0000000  }
0x3: {  	_ = 	snop  }
0x4: {  	_ = 	snop  }
0x5: {  	_ = 	snop  }
0x6: {  	_ = 	snop  }
0x7: {  	_ = 	snop  }
__scs_overlays_trampoline_lowered:
0x8: {  	[smem:$0x3FAC] =	sst s0  }
0x9: {  	[smem:$0x3FAD] =	sst s1  }
0xa: {  	[smem:$0x3FAE] =	sst s2  }
0xb: {  	[smem:$0x3FAF] =	sst s3  }
0xc: {  	[smem:$0x3FB0] =	sst s4  }
0xd: {  	[smem:$0x3FB1] =	sst s5  }
0xe: {  	[smem:$0x3FB2] =	sst s6  }
0xf: {  	[smem:$0x3FB3] =	sst s7  }
0x10: {  	[smem:$0x3FB4] =	sst s8  }
0x11: {  	[smem:$0x3FB5] =	sst s9;
	s0 =	simm.s32 @!p0 $0x0  }
0x12: {  	s1 =	sld [smem:$0x3F9B];
	s0 =	simm.s32 @p0 $0x1  }
0x13: {  	[smem:$0x3FB6] =	sst s0;
	s0 =	simm.s32 @!p1 $0x0  }
0x14: {  	s2 =	sld [smem:$0x3F9A];
	s0 =	simm.s32 @p1 $0x1  }
0x15: {  	[smem:$0x3FB7] =	sst s0;
	s0 =	simm.s32 @!p2 $0x0  }
0x16: {  	s3 =	sld [smem:$0x3FDB];
	s0 =	simm.s32 @p2 $0x1  }
0x17: {  	s4 =	simm.s32 $0x1BF5;
	[smem:$0x3FB9] =	sst s0  }
0x18: {  	s0 =	sld [smem:$0x3F9C];
	_ =	swait.ge [sflag:s4], $0x0  }
0x19: {  	s7 =	sld [smem:$0x3F9D]  }
0x1a: {  	s8 =	sadd.s32 $0xFFFFE003, lr  }
0x1b: {  	s9 =	sadd.s32 $0xFFFFFEF7, lr;
	s5 =	simm.s32 $0xFFFFFFFF;
	p2 =	slt.u32 s8, $0xFFFFF086  }
0x1c: {  	p1 =	slt.u32 s9, $0xF7A;
	s5 =	simm.s32 @!p2 $0x0  }
0x1d: {  	s5 =	simm.s32 @p1 $0x1;
	p0 =	seq.s32 s7, s2  }
0x1e: {  	s7 =	smul.u32 @!p0 $0xF7A, s2;
	p2 =	seq.s32 @!p0 s5, $0x0  }
0x1f: {  	s9 =	smul.u32 $0xF7A, s1;
	s8 =	simm.s32 @!p0 $0x1BF5;
	p2 =	por !p2, p0  }
0x20: {  	[sflag:s8] =	ssyncset.s32 @!p0 $0xFFFFF086;
	s6 =	sadd.s32 @!p0 s3, s7;
	s7 =	simm.s32 @!p0 $0x108  }
0x21: {  	s3 =	sadd.s32 s3, s9;
	s6 =	sadd.s32 @!p0 $0x88, s6;
	s7 =	simm.s32 @p2 $0x1082  }
0x22: {  	[simem:s7], [sflag:s8] =	dma.local @!p0 [hbm:s6], $0xF7A  }
0x23: {  	s9 =	sor.u32 $0xD0000000, s2;
	s6 =	simm.s32 $0x108;
	_ =	swait.ge @!p0 [sflag:s8], $0x0  }
0x24: {  	s3 =	sadd.s32 $0x88, s3;
	s6 =	simm.s32 @!p1 $0x1082;
	[sflag:s4] =	ssyncset.s32 $0xFFFFF086  }
0x25: {  	[simem:s6], [sflag:s4] =	dma.local [hbm:s3], $0xF7A  }
0x26: {  	[smem:$0x3F9D] =	sst s1;
	(tag) =	ssettag s2;
	_ =	strace s9  }
0x27: {  	s1 =	sld [smem:$0x3FAD]  }
0x28: {  	s2 =	sld [smem:$0x3FAE]  }
0x29: {  	s4 =	sld [smem:$0x3FB0]  }
0x2a: {  	p0 =	seq.s32 s5, $0x0;
	s5 =	sld [smem:$0x3FB1]  }
0x2b: {  	s6 =	sld [smem:$0x3FB2]  }
0x2c: {  	s7 =	sld [smem:$0x3FB3]  }
0x2d: {  	s3 =	simm.s32 $0x108;
	s8 =	sld [smem:$0x3FB4]  }
0x2e: {  	s3 =	simm.s32 @!p0 $0x1082;
	s9 =	sld [smem:$0x3FB5]  }
0x2f: {  	lr =	sadd.s32 s0, s3;
	s0 =	sld [smem:$0x3FAC]  }
0x30: {  	s3 =	sld [smem:$0x3FAF]  }
0x31: {  	[smem:$0x3FB8] =	sst s10  }
0x32: {  	s10 =	sld [smem:$0x3FB6];
	_ =	sdelay $0x3  }
0x33: {  	p0 =	seq.s32 s10, $0x1;
	s10 =	sld [smem:$0x3FB8];
	_ =	sdelay $0x3  }
0x34: {  	[smem:$0x3FB8] =	sst s10  }
0x35: {  	s10 =	sld [smem:$0x3FB7];
	_ =	sdelay $0x3  }
0x36: {  	p1 =	seq.s32 s10, $0x1;
	s10 =	sld [smem:$0x3FB8];
	_ =	sdelay $0x3  }
0x37: {  	[smem:$0x3FB8] =	sst s10  }
0x38: {  	s10 =	sld [smem:$0x3FB9]  }
0x39: {  	_ = 	snop;
	(pc) =	sbr.ind lr, $3  }
0x3a: {  	_ = 	snop  }
0x3b: {  	_ = 	snop  }
0x3c: {  	p2 =	seq.s32 s10, $0x1;
	s10 =	sld [smem:$0x3FB8]  }
0x3d: {  	_ =	shalt  }
0x3e: {  	_ =	shalt  }
0x3f: {  	_ =	shalt  }
0x40: {  	_ =	shalt  }
0x41: {  	_ =	shalt  }
0x42: {  	_ =	shalt  }
0x43: {  	_ =	shalt  }
0x44: {  	_ =	shalt  }
0x45: {  	_ =	shalt  }
0x46: {  	_ =	shalt  }
0x47: {  	_ =	shalt  }
0x48: {  	_ =	shalt  }
0x49: {  	_ =	shalt  }
0x4a: {  	_ =	shalt  }
0x4b: {  	_ =	shalt  }
0x4c: {  	_ =	shalt  }
0x4d: {  	_ =	shalt  }
0x4e: {  	_ =	shalt  }
0x4f: {  	_ =	shalt  }
0x50: {  	_ =	shalt  }
0x51: {  	_ =	shalt  }
0x52: {  	_ =	shalt  }
0x53: {  	_ =	shalt  }
0x54: {  	_ =	shalt  }
0x55: {  	_ =	shalt  }
0x56: {  	_ =	shalt  }
0x57: {  	_ =	shalt  }
0x58: {  	_ =	shalt  }
0x59: {  	_ =	shalt  }
0x5a: {  	_ =	shalt  }
0x5b: {  	_ =	shalt  }
0x5c: {  	_ =	shalt  }
0x5d: {  	_ =	shalt  }
0x5e: {  	_ =	shalt  }
0x5f: {  	_ =	shalt  }
0x60: {  	_ =	shalt  }
0x61: {  	_ =	shalt  }
0x62: {  	_ =	shalt  }
0x63: {  	_ =	shalt  }
0x64: {  	_ =	shalt  }
0x65: {  	_ =	shalt  }
0x66: {  	_ =	shalt  }
0x67: {  	_ =	shalt  }
0x68: {  	_ =	shalt  }
0x69: {  	_ =	shalt  }
0x6a: {  	_ =	shalt  }
0x6b: {  	_ =	shalt  }
0x6c: {  	_ =	shalt  }
0x6d: {  	_ =	shalt  }
0x6e: {  	_ =	shalt  }
0x6f: {  	_ =	shalt  }
0x70: {  	_ =	shalt  }
0x71: {  	_ =	shalt  }
0x72: {  	_ =	shalt  }
0x73: {  	_ =	shalt  }
0x74: {  	_ =	shalt  }
0x75: {  	_ =	shalt  }
0x76: {  	_ =	shalt  }
0x77: {  	_ =	shalt  }
0x78: {  	_ =	shalt  }
0x79: {  	_ =	shalt  }
0x7a: {  	_ =	shalt  }
0x7b: {  	_ =	shalt  }
0x7c: {  	_ =	shalt  }
0x7d: {  	_ =	shalt  }
0x7e: {  	_ =	shalt  }
0x7f: {  	_ =	shalt  }
0x80: {  	_ =	shalt  }
0x81: {  	_ =	shalt  }
0x82: {  	_ =	shalt  }
0x83: {  	_ =	shalt  }
0x84: {  	_ =	shalt  }
0x85: {  	_ =	shalt  }
0x86: {  	_ =	shalt  }
0x87: {  	_ =	shalt  }
.Lfunc_end0:
.L_simem_size_0:
called_computation_lowered:
.L_overlay_start_0:
0x88: {  	s2 =	sld [smem:$0x3FD9]  }
0x89: {  	s3 =	sld [smem:$0x3FFE];
	_ =	sdelay $0x1  }
0x8a: {  	s1 =	srdreg.scid  }
0x8b: {  	s0 =	sand.u32 $0x1, s1  }
0x8c: {  	s16 =	sshll.u32 s0, $0xA;
	s2 =	sadd.s32 s3, s2  }
0x8d: {  	s2 =	sadd.s32 s2, s16  }
0x8e: {  	[smem:$0x3FC4] =	sst s2  }
0x8f: {  	_ = 	snop  }
0x90: {  	(tm) =	ssettm $0x1  }
0x91: {  	s17 =	sld [smem:$0x3FFB];
	_ =	sdelay $0x3  }
0x92: {  	_ =	strace s17  }
0x93: {  	s2 =	sld [smem:$0x3FFC];
	_ =	sdelay $0x3  }
0x94: {  	_ =	strace s2  }
0x95: {  	s2 =	sld [smem:$0x3FFD];
	_ =	sdelay $0x3  }
0x96: {  	_ =	strace s2  }
0x97: {  	_ =	strace $0x8FFFFFFF  }
0x98: {  	s18 =	sld [smem:$0x3FDB];
	_ =	sdelay $0x1  }
0x99: {  	s19 =	simm.s32 $_scs_section_size  }
0x9a: {  	s4 =	simm.s32 $_size__tile_overlayer_lowered;
	s5 =	simm.s32 $_tile_overlayer_lowered  }
0x9b: {  	s22 =	simm.s32 $0x1BFF;
	s21 =	sshll.u32 s5, $0x1;
	s2 =	sadd.s32 s19, s18  }
0x9c: {  	s6 =	simm.s32 $0x0;
	s20 =	sshll.u32 s4, $0x1;
	s4 =	sadd.s32 s21, s2  }
0x9d: {  	[timem:s6], [sflag:s22] =	dma.local [hbm:s4], s20  }
0x9e: {  	_ =	swait.ge [sflag:s22], s20  }
0x9f: {  	s3 =	ssub.s32 $0x0, s20;
	[sflag:s22] =	ssyncset.done $0x0  }
0xa0: {  	[sflag:s22] =	ssyncadd.s32 s3;
	_ =	sdelay $0x1  }
0xa1: {  	s23 =	simm.s32 $0x1B8B  }
0xa2: {  	_ =	swait.ge [sflag:s23], $0x1  }
0xa3: {  	[sflag:s23] =	ssyncset.done $0x0  }
0xa4: {  	s25 =	simm.s32 $0x1B8E;
	s24 =	sld [smem:$0x3FFE];
	[sflag:s23] =	ssyncadd.s32 $0xFFFFFFFF  }
0xa5: {  	s26 =	simm.s32 $execute0_lowered;
	[smem:$0x3FD2] =	sst s25  }
0xa6: {  	s4 =	sshll.u32 s26, $0x1;
	_ =	strace $0x80000046;
	[dreg:$0x1] =	wrdreg $0xFFFFFFFF  }
0xa7: {  	s28 =	simm.s32 $_size_execute0_lowered;
	s2 =	sadd.s32 s2, s4;
	[dreg:$0x0] =	wrdreg $0x0  }
0xa8: {  	s4 =	sshll.u32 s28, $0x1;
	[dreg:$0x2] =	wrdreg s2  }
0xa9: {  	[dreg:$0x3] =	wrdreg s4  }
0xaa: {  	[dreg:$0x4] =	wrdreg $0xC0  }
0xab: {  	_ =	task [dreg:s6], $0x5FFFF  }
0xac: {  	[dreg:$0x1] =	wrdreg $0xFFFFFFFF  }
0xad: {  	[dreg:$0x0] =	wrdreg $0x60  }
0xae: {  	[dreg:$0x2] =	wrdreg s24  }
0xaf: {  	[dreg:$0x3] =	wrdreg $0x9  }
0xb0: {  	_ =	task.clear_ibuf [dreg:s6], $0x4FFFF;
	_ =	strace $0x90000046  }
0xb1: {  	s29 =	simm.s32 $0x9;
	_ =	strace $0x80000048  }
0xb2: {  	_ =	swait.ge [sflag:s29], $0x1  }
0xb3: {  	[sflag:s29] =	ssyncadd.s32 $0xFFFFFFFF  }
0xb4: {  	_ =	strace $0x90000048  }
0xb5: {  	_ =	sfence  }
0xb6: {  	s30 =	sld [smem:$0x0];
	_ =	sdelay $0x2  }
0xb7: {  	s31 =	sshll.u32 s1, $0xD;
	s1 =	sshrl.u32 s1, $0x2  }
0xb8: {  	s3 =	sand.u32 $0x4000, s31;
	s1 =	sadd.s32 s1, s30  }
0xb9: {  	s0 =	sor.u32 s3, s0;
	s1 =	sshll.u32 s1, $0x11  }
0xba: {  	s0 =	sor.u32 s1, s0  }
0xbb: {  	s0 =	sadd.s32 $0x8F2B, s0  }
0xbc: {  	[sflag:s0] =	ssyncadd.remote.s32 $0x1  }
0xbd: {  	_ =	sfence.sel $0xFFFF  }
0xbe: {  	[dreg:$0x0] =	wrdreg $0xFFFFFFFF;
	(pc) =	sbr.abs _section_cstart, $3  }
0xbf: {  	[dreg:$0x1] =	wrdreg $0xFFFFFFFF  }
0xc0: {  	_ =	task.clear_ibuf [dreg:s6], $0x2FFFF;
	_ =	strace $0x9FFFFFFF  }
0xc1: {  	(tm) =	ssettm $0x7FFFFFFF  }
tec
execute0_lowered:
.L_overlay_start_1:
0x0: {  	(tag) =	ssettag $0x1  }
0x1: {  	s7 =	rddreg [dreg:$0x0]  }
0x2: {  	s0 =	rddreg [dreg:$0x1]  }
0x3: {  	s2 =	simm.s32 $0x0;
	s3 =	srdreg.scid;
	s1 =	stileid.u32  }
0x4: {  	s10 =	simm.s32 $0x1;
	s11 =	simm.s32 $0x8000;
	s12 =	simm.s32 $0x2  }
0x5: {  	s13 =	simm.s32 $0x4;
	s14 =	simm.s32 $0xC000;
	s15 =	simm.s32 $0x3  }
0x6: {  	s16 =	simm.s32 $0x0;
	[smem:$0x7FF] =	sst s2;
	s3 =	sand.u32 $0x1, s3  }
.Ltmp0:
0x7: {  	s4 =	sshll.u32 s1, $0x11;
	s5 =	sshll.u32 s3, $0x10;
	(pc) =	sbr.rel .LBB2_1-.Ltmp0, $4  }
0x8: {  	s6 =	ssub.s32 $0x2, s3;
	_ =	strace $0x80000047;
	s3 =	sor.u32 s5, s4  }
0x9: {  	s31 =	sshrl.u32 s6, $0x1;
	s4 =	sadd.s32 $0x200800, s7;
	s8 =	sadd.s32 s3, s7  }
0xa: {  	s9 =	ssub.s32 s6, s31;
	s7 =	sadd.s32 $0x1800, s7;
	s5 =	sadd.s32 $0x800, s8  }
0xb: {  	s6 =	sadd.s32 $0x1000, s8;
	s8 =	smax.u32 s9, $0x1;
	s9 =	simm.s32 $0x4000  }
.LBB2_12:
0xc: {  	s16 =	sadd.s32 $0x1, s16  }
0xd: {  	_ =	swait.ge [sflag:s15], $0x4000;
	p0 =	sne.s32 s16, s8  }
.Ltmp1:
0xe: {  	[sflag:s15] =	ssyncset.done $0x0;
	(pc) =	sbr.rel @!p0 .LBB2_13-.Ltmp1, $4  }
0xf: {  	[sflag:s15] =	ssyncadd.s32 $0xFFFFC000  }
0x10: {  	_ =	swait.ge [sflag:s13], $0x4000  }
0x11: {  	[sflag:s13] =	ssyncset.done $0x0  }
0x12: {  	[sflag:s13] =	ssyncadd.s32 $0xFFFFC000  }
.LBB2_1:
0x13: {  	[tilespmem:s2], [sflag:$0x1] =	stream.linear.gather [hbm4b:s5+s2], $0x4000, $0x38;
	[tilespmem:$0x10000] =	vst v63  }
0x14: {  	s17 =	simm.s32 $0x0  }
0x15: {  	[tilespmem:s9], [sflag:$0x2] =	stream.linear.gather [hbm4b:s6+s2], $0x4000, $0x38;
	[tilespmem:$0x10000] =	vst v63  }
.LBB2_2:
0x16: {  	_ =	swait.ge [sflag:s10], $0x4000  }
0x17: {  	p0 =	seq.s32 s17, $0x0;
	[sflag:s10] =	ssyncset.done $0x0  }
0x18: {  	s18 =	simm.s32 @!p0 $0x3;
	[sflag:s10] =	ssyncadd.s32 $0xFFFFC000  }
0x19: {  	_ =	swait.ge @!p0 [sflag:s18], $0x4000  }
0x1a: {  	[sflag:s18] =	ssyncset.done @!p0 $0x0  }
0x1b: {  	[sflag:s18] =	ssyncadd.s32 @!p0 $0xFFFFC000;
	s18 =	simm.s32 $0x0  }
0x1c: {  	v3 =	vld [tilespmem:s18+$0x70]  }
0x1d: {  	v4 =	vld [tilespmem:s18+$0x0]  }
0x1e: {  	v5 =	vld [tilespmem:s18+$0x10]  }
0x1f: {  	v2 =	vld [tilespmem:s18+$0x20]  }
0x20: {  	v0 =	vld [tilespmem:s18+$0x30]  }
0x21: {  	v1 =	vld [tilespmem:s18+$0x40];
	[tilespmem:s18+$0x8070] =	vst v3  }
0x22: {  	[tilespmem:s18+$0x8000] =	vst v4;
	v3 =	vld [tilespmem:s18+$0x50]  }
0x23: {  	s19 =	simm.s32 $0x80;
	s20 =	simm.s32 $0x400;
	[tilespmem:s18+$0x8010] =	vst v5;
	v4 =	vld [tilespmem:s18+$0x60]  }
.LBB2_3:
0x24: {  	p1 =	sne.s32 s20, $0xFE00;
	v5 =	vld [tilespmem:s19+$0x70];
	[tilespmem:s18+$0x8020] =	vst v2  }
0x25: {  	v6 =	vld [tilespmem:s19+$0x0];
	[tilespmem:s18+$0x8030] =	vst v0  }
0x26: {  	v7 =	vld [tilespmem:s19+$0x10];
	[tilespmem:s18+$0x8040] =	vst v1  }
.Ltmp2:
0x27: {  	v2 =	vld [tilespmem:s19+$0x20];
	[tilespmem:s18+$0x8050] =	vst v3;
	(pc) =	sbr.rel @p1 .LBB2_3-.Ltmp2, $4  }
0x28: {  	v0 =	vld [tilespmem:s19+$0x30];
	[tilespmem:s18+$0x8060] =	vst v4;
	s18 =	smov.u32 s19  }
0x29: {  	v1 =	vld [tilespmem:s18+$0x40];
	[tilespmem:s18+$0x8070] =	vst v5  }
0x2a: {  	[tilespmem:s18+$0x8000] =	vst v6;
	v3 =	vld [tilespmem:s18+$0x50]  }
0x2b: {  	s19 =	sshra.s32 s20, $0x2;
	s20 =	sadd.s32 $0x200, s20;
	[tilespmem:s18+$0x8010] =	vst v7;
	v4 =	vld [tilespmem:s18+$0x60]  }
0x2c: {  	v5 =	vld [tilespmem:s19+$0x70];
	[tilespmem:s18+$0x8020] =	vst v2  }
0x2d: {  	v2 =	vld [tilespmem:s19+$0x0];
	[tilespmem:s18+$0x8030] =	vst v0  }
0x2e: {  	v0 =	vld [tilespmem:s19+$0x10];
	[tilespmem:s18+$0x8040] =	vst v1  }
0x2f: {  	v1 =	vld [tilespmem:s19+$0x20];
	[tilespmem:s18+$0x8050] =	vst v3  }
0x30: {  	v3 =	vld [tilespmem:s19+$0x30];
	[tilespmem:s18+$0x8060] =	vst v4  }
0x31: {  	v4 =	vld [tilespmem:s19+$0x40];
	[tilespmem:s19+$0x8070] =	vst v5  }
0x32: {  	v62 =	vld [tilespmem:s19+$0x50];
	[tilespmem:s19+$0x8000] =	vst v2  }
0x33: {  	v63 =	vld [tilespmem:s19+$0x60];
	[tilespmem:s19+$0x8010] =	vst v0  }
0x34: {  	p1 =	sne.s32 s17, $0xF;
	[tilespmem:s19+$0x8020] =	vst v1  }
.Ltmp3:
0x35: {  	[tilespmem:s19+$0x8030] =	vst v3;
	(pc) =	sbr.rel @p1 .LBB2_6-.Ltmp3, $4  }
0x36: {  	s30 =	sshll.u32 s17, $0xC;
	[tilespmem:s19+$0x8040] =	vst v4  }
0x37: {  	s18 =	sor.u32 s3, s30;
	[tilespmem:s19+$0x8050] =	vst v62  }
0x38: {  	s31 =	sadd.s32 s4, s18;
	[tilespmem:s19+$0x8060] =	vst v63  }
0x39: {  	[hbm4b:s31+s2] =	stream.linear.scatter [tilespmem:s11], [sflag:$0x3], $0x4000, $0x38;
	[tilespmem:$0x10000] =	vst v63  }
.Ltmp4:
0x3a: {  	(pc) =	sbr.rel .LBB2_7-.Ltmp4, $4  }
0x3b: {  	_ = 	snop  }
0x3c: {  	_ =	swait.ge [sflag:s12], $0x4000  }
0x3d: {  	[sflag:s12] =	ssyncset.done $0x0  }
0x3e: {  	[sflag:s12] =	ssyncadd.s32 $0xFFFFC000  }
.LBB2_6:
.Ltmp5:
0x3f: {  	s19 =	sadd.s32 s18, s7;
	(pc) =	sbr.rel @p0 .LBB2_8-.Ltmp5, $4  }
0x40: {  	[tilespmem:s2], [sflag:$0x1] =	stream.linear.gather [hbm4b:s19+s2], $0x4000, $0x38;
	[tilespmem:$0x10000] =	vst v63  }
0x41: {  	_ =	swait.ge [sflag:s12], $0x4000  }
0x42: {  	[sflag:s12] =	ssyncset.done $0x0  }
0x43: {  	[sflag:s12] =	ssyncadd.s32 $0xFFFFC000  }
.LBB2_7:
0x44: {  	_ =	swait.ge [sflag:s13], $0x4000  }
0x45: {  	[sflag:s13] =	ssyncset.done $0x0  }
0x46: {  	[sflag:s13] =	ssyncadd.s32 $0xFFFFC000  }
.LBB2_8:
0x47: {  	s19 =	simm.s32 $0x0  }
0x48: {  	v3 =	vld [tilespmem:s19+$0x4070]  }
0x49: {  	v4 =	vld [tilespmem:s19+$0x4000]  }
0x4a: {  	v5 =	vld [tilespmem:s19+$0x4010]  }
0x4b: {  	v2 =	vld [tilespmem:s19+$0x4020]  }
0x4c: {  	v0 =	vld [tilespmem:s19+$0x4030]  }
0x4d: {  	v1 =	vld [tilespmem:s19+$0x4040];
	[tilespmem:s19+$0xC070] =	vst v3  }
0x4e: {  	[tilespmem:s19+$0xC000] =	vst v4;
	v3 =	vld [tilespmem:s19+$0x4050]  }
0x4f: {  	s20 =	simm.s32 $0x80;
	s21 =	simm.s32 $0x400;
	[tilespmem:s19+$0xC010] =	vst v5;
	v4 =	vld [tilespmem:s19+$0x4060]  }
.LBB2_9:
0x50: {  	p0 =	sne.s32 s21, $0xFE00;
	v5 =	vld [tilespmem:s20+$0x4070];
	[tilespmem:s19+$0xC020] =	vst v2  }
0x51: {  	v6 =	vld [tilespmem:s20+$0x4000];
	[tilespmem:s19+$0xC030] =	vst v0  }
0x52: {  	v7 =	vld [tilespmem:s20+$0x4010];
	[tilespmem:s19+$0xC040] =	vst v1  }
.Ltmp6:
0x53: {  	v2 =	vld [tilespmem:s20+$0x4020];
	[tilespmem:s19+$0xC050] =	vst v3;
	(pc) =	sbr.rel @p0 .LBB2_9-.Ltmp6, $4  }
0x54: {  	v0 =	vld [tilespmem:s20+$0x4030];
	[tilespmem:s19+$0xC060] =	vst v4;
	s19 =	smov.u32 s20  }
0x55: {  	v1 =	vld [tilespmem:s19+$0x4040];
	[tilespmem:s19+$0xC070] =	vst v5  }
0x56: {  	[tilespmem:s19+$0xC000] =	vst v6;
	v3 =	vld [tilespmem:s19+$0x4050]  }
0x57: {  	s20 =	sshra.s32 s21, $0x2;
	s21 =	sadd.s32 $0x200, s21;
	[tilespmem:s19+$0xC010] =	vst v7;
	v4 =	vld [tilespmem:s19+$0x4060]  }
0x58: {  	v5 =	vld [tilespmem:s20+$0x4070];
	[tilespmem:s19+$0xC020] =	vst v2  }
0x59: {  	v2 =	vld [tilespmem:s20+$0x4000];
	[tilespmem:s19+$0xC030] =	vst v0  }
0x5a: {  	v0 =	vld [tilespmem:s20+$0x4010];
	[tilespmem:s19+$0xC040] =	vst v1  }
0x5b: {  	v1 =	vld [tilespmem:s20+$0x4020];
	[tilespmem:s19+$0xC050] =	vst v3  }
0x5c: {  	v3 =	vld [tilespmem:s20+$0x4030];
	[tilespmem:s19+$0xC060] =	vst v4  }
0x5d: {  	v4 =	vld [tilespmem:s20+$0x4040];
	[tilespmem:s20+$0xC070] =	vst v5  }
0x5e: {  	v62 =	vld [tilespmem:s20+$0x4050];
	[tilespmem:s20+$0xC000] =	vst v2  }
0x5f: {  	v63 =	vld [tilespmem:s20+$0x4060];
	[tilespmem:s20+$0xC010] =	vst v0  }
0x60: {  	p0 =	seq.s32 s17, $0xF;
	[tilespmem:s20+$0xC020] =	vst v1  }
.Ltmp7:
0x61: {  	[tilespmem:s20+$0xC030] =	vst v3;
	(pc) =	sbr.rel @p0 .LBB2_12-.Ltmp7, $4  }
0x62: {  	[tilespmem:s20+$0xC040] =	vst v4  }
0x63: {  	s18 =	sor.u32 $0x800, s18;
	[tilespmem:s20+$0xC050] =	vst v62  }
0x64: {  	s31 =	sadd.s32 s4, s18;
	[tilespmem:s20+$0xC060] =	vst v63  }
0x65: {  	[hbm4b:s31+s2] =	stream.linear.scatter [tilespmem:s14], [sflag:$0x4], $0x4000, $0x38;
	[tilespmem:$0x10000] =	vst v63  }
.Ltmp8:
0x66: {  	(pc) =	sbr.rel .LBB2_2-.Ltmp8, $3  }
0x67: {  	_ =	sdelay $0x1  }
0x68: {  	s18 =	sadd.s32 s18, s7;
	s17 =	sadd.s32 $0x1, s17  }
0x69: {  	[tilespmem:s9], [sflag:$0x2] =	stream.linear.gather [hbm4b:s18+s2], $0x4000, $0x38;
	[tilespmem:$0x10000] =	vst v63  }
.LBB2_13:
0x6a: {  	_ =	sfence.sel $0x180000  }
0x6b: {  	[bflag:$0x0] =	sbarrier.arrive $0xFFFF  }
0x6c: {  	p0 =	sne.s32 s1, $0x0;
	_ =	strace $0x90000047  }
0x6d: {  	s0 =	sadd.s32 @!p0 $0x100000, s0;
	[bflag:$0x2] =	sbarrier.arrive $0xFFFF  }
0x6e: {  	[sflag:s0] =	ssyncadd.tile.s32 @!p0 $0x1;
	_ =	shalt  }
.Lfunc_end2:
_tile_overlayer_lowered:
.L_overlay_start_2:
0x6f: {  	(tag) =	ssettag $0x2  }
0x70: {  	s0 =	rddreg [dreg:$0x0];
	s2 =	stileid.u32  }
0x71: {  	s1 =	rddreg [dreg:$0x1];
	p0 =	sne.s32 s2, $0x0  }
0x72: {  	s3 =	rddreg [dreg:$0x2];
	[bflag:$0x3] =	sbarrier.arrive $0xFFFF;
	s2 =	simm.s32 @!p0 $0x1C05  }
0x73: {  	[timem:s3], [sflag:s2] =	dma.local @!p0 [hbm:s0], s1  }
0x74: {  	s0 =	simm.s32 @!p0 $0x5  }
0x75: {  	_ =	swait.ge @!p0 [sflag:s0], s1  }
0x76: {  	s1 =	ssub.s32 @!p0 $0x0, s1;
	[sflag:s0] =	ssyncset.done @!p0 $0x0  }
0x77: {  	[sflag:s0] =	ssyncadd.s32 @!p0 s1  }
0x78: {  	[bflag:$0x3] =	sbarrier.arrive $0xFFFF  }
0x79: {  	_ =	shalt  }

// kernel: kernel.8.cloned.1.call-start
scs
__scs_entry_jumppad:
0x0: {  	(pc) =	sbr.rel $0x88, $3  }
0x1: {  	(tag) =	ssettag $0x0;
	lr =	simm.s32 $0x1  }
0x2: {  	[smem:$0x3F9D] =	sst lr;
	_ =	strace $0xD0000000  }
0x3: {  	_ = 	snop  }
0x4: {  	_ = 	snop  }
0x5: {  	_ = 	snop  }
0x6: {  	_ = 	snop  }
0x7: {  	_ = 	snop  }
__scs_overlays_trampoline_lowered:
0x8: {  	[smem:$0x3FAC] =	sst s0  }
0x9: {  	[smem:$0x3FAD] =	sst s1  }
0xa: {  	[smem:$0x3FAE] =	sst s2  }
0xb: {  	[smem:$0x3FAF] =	sst s3  }
0xc: {  	[smem:$0x3FB0] =	sst s4  }
0xd: {  	[smem:$0x3FB1] =	sst s5  }
0xe: {  	[smem:$0x3FB2] =	sst s6  }
0xf: {  	[smem:$0x3FB3] =	sst s7  }
0x10: {  	[smem:$0x3FB4] =	sst s8  }
0x11: {  	[smem:$0x3FB5] =	sst s9;
	s0 =	simm.s32 @!p0 $0x0  }
0x12: {  	s1 =	sld [smem:$0x3F9B];
	s0 =	simm.s32 @p0 $0x1  }
0x13: {  	[smem:$0x3FB6] =	sst s0;
	s0 =	simm.s32 @!p1 $0x0  }
0x14: {  	s2 =	sld [smem:$0x3F9A];
	s0 =	simm.s32 @p1 $0x1  }
0x15: {  	[smem:$0x3FB7] =	sst s0;
	s0 =	simm.s32 @!p2 $0x0  }
0x16: {  	s3 =	sld [smem:$0x3FDB];
	s0 =	simm.s32 @p2 $0x1  }
0x17: {  	s4 =	simm.s32 $0x1BF5;
	[smem:$0x3FB9] =	sst s0  }
0x18: {  	s0 =	sld [smem:$0x3F9C];
	_ =	swait.ge [sflag:s4], $0x0  }
0x19: {  	s7 =	sld [smem:$0x3F9D]  }
0x1a: {  	s8 =	sadd.s32 $0xFFFFE003, lr  }
0x1b: {  	s9 =	sadd.s32 $0xFFFFFEF7, lr;
	s5 =	simm.s32 $0xFFFFFFFF;
	p2 =	slt.u32 s8, $0xFFFFF086  }
0x1c: {  	p1 =	slt.u32 s9, $0xF7A;
	s5 =	simm.s32 @!p2 $0x0  }
0x1d: {  	s5 =	simm.s32 @p1 $0x1;
	p0 =	seq.s32 s7, s2  }
0x1e: {  	s7 =	smul.u32 @!p0 $0xF7A, s2;
	p2 =	seq.s32 @!p0 s5, $0x0  }
0x1f: {  	s9 =	smul.u32 $0xF7A, s1;
	s8 =	simm.s32 @!p0 $0x1BF5;
	p2 =	por !p2, p0  }
0x20: {  	[sflag:s8] =	ssyncset.s32 @!p0 $0xFFFFF086;
	s6 =	sadd.s32 @!p0 s3, s7;
	s7 =	simm.s32 @!p0 $0x108  }
0x21: {  	s3 =	sadd.s32 s3, s9;
	s6 =	sadd.s32 @!p0 $0x88, s6;
	s7 =	simm.s32 @p2 $0x1082  }
0x22: {  	[simem:s7], [sflag:s8] =	dma.local @!p0 [hbm:s6], $0xF7A  }
0x23: {  	s9 =	sor.u32 $0xD0000000, s2;
	s6 =	simm.s32 $0x108;
	_ =	swait.ge @!p0 [sflag:s8], $0x0  }
0x24: {  	s3 =	sadd.s32 $0x88, s3;
	s6 =	simm.s32 @!p1 $0x1082;
	[sflag:s4] =	ssyncset.s32 $0xFFFFF086  }
0x25: {  	[simem:s6], [sflag:s4] =	dma.local [hbm:s3], $0xF7A  }
0x26: {  	[smem:$0x3F9D] =	sst s1;
	(tag) =	ssettag s2;
	_ =	strace s9  }
0x27: {  	s1 =	sld [smem:$0x3FAD]  }
0x28: {  	s2 =	sld [smem:$0x3FAE]  }
0x29: {  	s4 =	sld [smem:$0x3FB0]  }
0x2a: {  	p0 =	seq.s32 s5, $0x0;
	s5 =	sld [smem:$0x3FB1]  }
0x2b: {  	s6 =	sld [smem:$0x3FB2]  }
0x2c: {  	s7 =	sld [smem:$0x3FB3]  }
0x2d: {  	s3 =	simm.s32 $0x108;
	s8 =	sld [smem:$0x3FB4]  }
0x2e: {  	s3 =	simm.s32 @!p0 $0x1082;
	s9 =	sld [smem:$0x3FB5]  }
0x2f: {  	lr =	sadd.s32 s0, s3;
	s0 =	sld [smem:$0x3FAC]  }
0x30: {  	s3 =	sld [smem:$0x3FAF]  }
0x31: {  	[smem:$0x3FB8] =	sst s10  }
0x32: {  	s10 =	sld [smem:$0x3FB6];
	_ =	sdelay $0x3  }
0x33: {  	p0 =	seq.s32 s10, $0x1;
	s10 =	sld [smem:$0x3FB8];
	_ =	sdelay $0x3  }
0x34: {  	[smem:$0x3FB8] =	sst s10  }
0x35: {  	s10 =	sld [smem:$0x3FB7];
	_ =	sdelay $0x3  }
0x36: {  	p1 =	seq.s32 s10, $0x1;
	s10 =	sld [smem:$0x3FB8];
	_ =	sdelay $0x3  }
0x37: {  	[smem:$0x3FB8] =	sst s10  }
0x38: {  	s10 =	sld [smem:$0x3FB9]  }
0x39: {  	_ = 	snop;
	(pc) =	sbr.ind lr, $3  }
0x3a: {  	_ = 	snop  }
0x3b: {  	_ = 	snop  }
0x3c: {  	p2 =	seq.s32 s10, $0x1;
	s10 =	sld [smem:$0x3FB8]  }
0x3d: {  	_ =	shalt  }
0x3e: {  	_ =	shalt  }
0x3f: {  	_ =	shalt  }
0x40: {  	_ =	shalt  }
0x41: {  	_ =	shalt  }
0x42: {  	_ =	shalt  }
0x43: {  	_ =	shalt  }
0x44: {  	_ =	shalt  }
0x45: {  	_ =	shalt  }
0x46: {  	_ =	shalt  }
0x47: {  	_ =	shalt  }
0x48: {  	_ =	shalt  }
0x49: {  	_ =	shalt  }
0x4a: {  	_ =	shalt  }
0x4b: {  	_ =	shalt  }
0x4c: {  	_ =	shalt  }
0x4d: {  	_ =	shalt  }
0x4e: {  	_ =	shalt  }
0x4f: {  	_ =	shalt  }
0x50: {  	_ =	shalt  }
0x51: {  	_ =	shalt  }
0x52: {  	_ =	shalt  }
0x53: {  	_ =	shalt  }
0x54: {  	_ =	shalt  }
0x55: {  	_ =	shalt  }
0x56: {  	_ =	shalt  }
0x57: {  	_ =	shalt  }
0x58: {  	_ =	shalt  }
0x59: {  	_ =	shalt  }
0x5a: {  	_ =	shalt  }
0x5b: {  	_ =	shalt  }
0x5c: {  	_ =	shalt  }
0x5d: {  	_ =	shalt  }
0x5e: {  	_ =	shalt  }
0x5f: {  	_ =	shalt  }
0x60: {  	_ =	shalt  }
0x61: {  	_ =	shalt  }
0x62: {  	_ =	shalt  }
0x63: {  	_ =	shalt  }
0x64: {  	_ =	shalt  }
0x65: {  	_ =	shalt  }
0x66: {  	_ =	shalt  }
0x67: {  	_ =	shalt  }
0x68: {  	_ =	shalt  }
0x69: {  	_ =	shalt  }
0x6a: {  	_ =	shalt  }
0x6b: {  	_ =	shalt  }
0x6c: {  	_ =	shalt  }
0x6d: {  	_ =	shalt  }
0x6e: {  	_ =	shalt  }
0x6f: {  	_ =	shalt  }
0x70: {  	_ =	shalt  }
0x71: {  	_ =	shalt  }
0x72: {  	_ =	shalt  }
0x73: {  	_ =	shalt  }
0x74: {  	_ =	shalt  }
0x75: {  	_ =	shalt  }
0x76: {  	_ =	shalt  }
0x77: {  	_ =	shalt  }
0x78: {  	_ =	shalt  }
0x79: {  	_ =	shalt  }
0x7a: {  	_ =	shalt  }
0x7b: {  	_ =	shalt  }
0x7c: {  	_ =	shalt  }
0x7d: {  	_ =	shalt  }
0x7e: {  	_ =	shalt  }
0x7f: {  	_ =	shalt  }
0x80: {  	_ =	shalt  }
0x81: {  	_ =	shalt  }
0x82: {  	_ =	shalt  }
0x83: {  	_ =	shalt  }
0x84: {  	_ =	shalt  }
0x85: {  	_ =	shalt  }
0x86: {  	_ =	shalt  }
0x87: {  	_ =	shalt  }
.Lfunc_end0:
.L_simem_size_0:
called_computation.1_lowered:
.L_overlay_start_0:
0x88: {  	s2 =	sld [smem:$0x3FD9]  }
0x89: {  	s3 =	sld [smem:$0x3FFE];
	_ =	sdelay $0x1  }
0x8a: {  	s1 =	srdreg.scid  }
0x8b: {  	s0 =	sand.u32 $0x1, s1  }
0x8c: {  	s17 =	sshll.u32 s0, $0xA;
	s2 =	sadd.s32 s3, s2  }
0x8d: {  	s2 =	sadd.s32 s2, s17  }
0x8e: {  	[smem:$0x3FC4] =	sst s2  }
0x8f: {  	_ = 	snop  }
0x90: {  	s2 =	sld [smem:$0x3FD0];
	(tm) =	ssettm $0x1  }
0x91: {  	s18 =	sld [smem:$0x3FFB];
	_ =	sdelay $0x3  }
0x92: {  	_ =	strace s18  }
0x93: {  	s3 =	sld [smem:$0x3FFC];
	_ =	sdelay $0x3  }
0x94: {  	_ =	strace s3  }
0x95: {  	s3 =	sld [smem:$0x3FFD];
	_ =	sdelay $0x3  }
0x96: {  	_ =	strace s3  }
0x97: {  	_ =	strace $0x8FFFFFFF  }
0x98: {  	s19 =	sld [smem:$0x3FDB];
	_ =	sdelay $0x1  }
0x99: {  	s4 =	simm.s32 $_scs_section_size  }
0x9a: {  	s5 =	simm.s32 $_size__tile_overlayer_lowered;
	s6 =	simm.s32 $_tile_overlayer_lowered  }
0x9b: {  	s22 =	simm.s32 $0x1BFF;
	s21 =	sshll.u32 s6, $0x1;
	s3 =	sadd.s32 s4, s19  }
0x9c: {  	s7 =	simm.s32 $0x0;
	s20 =	sshll.u32 s5, $0x1;
	s5 =	sadd.s32 s21, s3  }
0x9d: {  	[timem:s7], [sflag:s22] =	dma.local [hbm:s5], s20  }
0x9e: {  	_ =	swait.ge [sflag:s22], s20  }
0x9f: {  	s4 =	ssub.s32 $0x0, s20;
	[sflag:s22] =	ssyncset.done $0x0  }
0xa0: {  	[sflag:s22] =	ssyncadd.s32 s4;
	_ =	sdelay $0x1  }
0xa1: {  	s23 =	simm.s32 $0x1B8B  }
0xa2: {  	_ =	swait.ge [sflag:s23], $0x1  }
0xa3: {  	[sflag:s23] =	ssyncset.done $0x0  }
0xa4: {  	s25 =	simm.s32 $0x1B8E;
	s24 =	sld [smem:$0x3FFE];
	[sflag:s23] =	ssyncadd.s32 $0xFFFFFFFF  }
0xa5: {  	s26 =	simm.s32 $execute0_lowered;
	[smem:$0x3FD2] =	sst s25  }
0xa6: {  	s5 =	sshll.u32 s26, $0x1;
	_ =	strace $0x80000049;
	[dreg:$0x1] =	wrdreg $0xFFFFFFFF  }
0xa7: {  	s28 =	simm.s32 $_size_execute0_lowered;
	s3 =	sadd.s32 s3, s5;
	[dreg:$0x0] =	wrdreg $0x0  }
0xa8: {  	s5 =	sshll.u32 s28, $0x1;
	[dreg:$0x2] =	wrdreg s3  }
0xa9: {  	[dreg:$0x3] =	wrdreg s5  }
0xaa: {  	[dreg:$0x4] =	wrdreg $0xC0  }
0xab: {  	_ =	task [dreg:s7], $0x5FFFF  }
0xac: {  	[dreg:$0x1] =	wrdreg $0xFFFFFFFF  }
0xad: {  	[dreg:$0x0] =	wrdreg $0x60  }
0xae: {  	[dreg:$0x2] =	wrdreg s24  }
0xaf: {  	[dreg:$0x3] =	wrdreg s2  }
0xb0: {  	[dreg:$0x4] =	wrdreg $0x9  }
0xb1: {  	_ =	task.clear_ibuf [dreg:s7], $0x5FFFF;
	_ =	strace $0x90000049  }
0xb2: {  	s29 =	simm.s32 $0x9;
	_ =	strace $0x8000004B  }
0xb3: {  	_ =	swait.ge [sflag:s29], $0x1  }
0xb4: {  	[sflag:s29] =	ssyncadd.s32 $0xFFFFFFFF  }
0xb5: {  	_ =	strace $0x9000004B  }
0xb6: {  	_ =	sfence  }
0xb7: {  	s30 =	sld [smem:$0x0];
	_ =	sdelay $0x2  }
0xb8: {  	s31 =	sshll.u32 s1, $0xD;
	s1 =	sshrl.u32 s1, $0x2  }
0xb9: {  	s3 =	sand.u32 $0x4000, s31;
	s1 =	sadd.s32 s1, s30  }
0xba: {  	s0 =	sor.u32 s3, s0;
	s1 =	sshll.u32 s1, $0x11  }
0xbb: {  	s0 =	sor.u32 s1, s0  }
0xbc: {  	s0 =	sadd.s32 $0x8F2B, s0  }
0xbd: {  	[sflag:s0] =	ssyncadd.remote.s32 $0x1  }
0xbe: {  	_ =	sfence.sel $0xFFFF  }
0xbf: {  	[dreg:$0x0] =	wrdreg $0xFFFFFFFF;
	(pc) =	sbr.abs _section_cstart, $3  }
0xc0: {  	[dreg:$0x1] =	wrdreg $0xFFFFFFFF  }
0xc1: {  	_ =	task.clear_ibuf [dreg:s7], $0x2FFFF;
	_ =	strace $0x9FFFFFFF  }
0xc2: {  	(tm) =	ssettm $0x7FFFFFFF  }
0xc3: {  	_ =	shalt  }
tec
execute0_lowered:
.L_overlay_start_1:
0x0: {  	(tag) =	ssettag $0x1  }
0x1: {  	s0 =	srdreg.scid  }
0x2: {  	s2 =	stileid.u32;
	s1 =	rddreg [dreg:$0x0]  }
0x3: {  	s6 =	rddreg [dreg:$0x1];
	s8 =	simm.s32 $0x9;
	s10 =	simm.s32 $0x68  }
0x4: {  	s12 =	simm.s32 $0x60;
	s20 =	simm.s32 $0x1F8;
	s21 =	simm.s32 $0x8A00  }
0x5: {  	s22 =	simm.s32 $0x258;
	s23 =	simm.s32 $0x7780;
	s24 =	simm.s32 $0x2C0  }
0x6: {  	s28 =	simm.s32 $0x5;
	s29 =	simm.s32 $0x2;
	s30 =	simm.s32 $0x6  }
0x7: {  	s31 =	simm.s32 $0x3;
	s9 =	simm.s32 $0x8;
	s0 =	sand.u32 $0x1, s0  }
0x8: {  	s11 =	simm.s32 $0x9600;
	s2 =	sshll.u32 s2, $0x8;
	s3 =	sshll.u32 s0, $0x7  }
0x9: {  	s13 =	simm.s32 $0x0;
	s4 =	sadd.s32 $0x419800, s1;
	s7 =	sor.u32 s3, s2  }
0xa: {  	s0 =	ssub.s32 $0x2, s0;
	s2 =	simm.s32 $0x0;
	s3 =	smul.u32 $0x19, s7  }
.Ltmp0:
0xb: {  	s25 =	sshrl.u32 s0, $0x1;
	[smem:$0x7FF] =	sst s2;
	(pc) =	sbr.rel .LBB2_1-.Ltmp0, $4  }
0xc: {  	s0 =	ssub.s32 s0, s25;
	s26 =	sshll.u32 s7, $0x1;
	s25 =	simm.s32 $0x9000  }
0xd: {  	_ =	strace $0x8000004A;
	s6 =	sadd.s32 s6, s26;
	s7 =	smax.u32 s0, $0x1  }
0xe: {  	s26 =	simm.s32 $0x1;
	s0 =	simm.s32 $0x4;
	s5 =	sadd.s32 s3, s1  }
0xf: {  	s3 =	sadd.s32 $0x200800, s1;
	s1 =	simm.s32 $0x7;
	s5 =	sadd.s32 $0x400800, s5  }
.LBB2_20:
0x10: {  	s13 =	sadd.s32 $0x1, s13  }
0x11: {  	p0 =	sne.s32 s13, s7  }
.Ltmp1:
0x12: {  	[tilespmem:s15+$0x9630] =	vst v1;
	(pc) =	sbr.rel @!p0 .LBB2_21-.Ltmp1, $4  }
0x13: {  	[hbm4b:s6+s2] =	stream.linear.scatter [tilespmem:s11], [sflag:$0x9], $0x800, $0x38;
	[tilespmem:$0x9E10] =	vst v63  }
0x14: {  	_ =	swait.ge [sflag:s8], $0x800  }
0x15: {  	[sflag:s8] =	ssyncset.done $0x0  }
0x16: {  	[sflag:s8] =	ssyncadd.s32 $0xFFFFF800  }
.LBB2_1:
0x17: {  	[tilespmem:s2], [sflag:$0x9] =	stream.linear.gather [hbm4b:s5+s2], $0x6400, $0x38;
	[tilespmem:$0x9E10] =	vst v63  }
0x18: {  	_ =	swait.ge [sflag:s8], $0x6400  }
0x19: {  	[sflag:s8] =	ssyncset.done $0x0  }
0x1a: {  	s14 =	simm.s32 $0x9E00;
	[sflag:s8] =	ssyncadd.s32 $0xFFFF9C00  }
0x1b: {  	[tilespmem:s14], [sflag:$0x9] =	stream.linear.gather [hbm4b:s4+s2], $0x10, $0x38;
	[tilespmem:$0x9E10] =	vst v63  }
0x1c: {  	_ =	swait.ge [sflag:s8], $0x10  }
0x1d: {  	[sflag:s8] =	ssyncset.done $0x0  }
0x1e: {  	s17 =	simm.s32 $0x6400;
	[sflag:s8] =	ssyncadd.s32 $0xFFFFFFF0  }
0x1f: {  	v0 =	vld [tilespmem:$0x9E00];
	[tilespmem:s17], [sflag:$0x1] =	stream.indirect.gather [hbm4b:s3+s10], $0x10, s2, s10, $0xb8  }
0x20: {  	s18 =	simm.s32 $0x7E00  }
0x21: {  	[tilespmem:s18], [sflag:$0x5] =	stream.indirect.gather [hbm4b:s3+s12], $0x10, s10, s12, $0xb8;
	[tilespmem:$0x9E10] =	vst v63  }
0x22: {  	s19 =	simm.s32 $0xC8;
	s15 =	simm.s32 $0x6A80  }
0x23: {  	[tilespmem:s15], [sflag:$0x2] =	stream.indirect.gather [hbm4b:s3+s10], $0x10, s19, s10, $0xb8;
	[tilespmem:$0x9E10] =	vst v63  }
0x24: {  	s16 =	simm.s32 $0x130;
	s17 =	simm.s32 $0x8400  }
0x25: {  	[tilespmem:s17], [sflag:$0x6] =	stream.indirect.gather [hbm4b:s3+s12], $0x10, s16, s12, $0xb8;
	[tilespmem:$0x9E10] =	vst v63  }
0x26: {  	s18 =	simm.s32 $0x190;
	s19 =	simm.s32 $0x7100  }
0x27: {  	[tilespmem:s19], [sflag:$0x3] =	stream.indirect.gather [hbm4b:s3+s10], $0x10, s18, s10, $0xb8;
	[tilespmem:$0x9E10] =	vst v63  }
0x28: {  	_ = 	snop  }
0x29: {  	[tilespmem:s21], [sflag:$0x7] =	stream.indirect.gather [hbm4b:s3+s12], $0x10, s20, s12, $0xb8;
	[tilespmem:$0x9E10] =	vst v63  }
0x2a: {  	_ = 	snop  }
0x2b: {  	[tilespmem:s23], [sflag:$0x4] =	stream.indirect.gather [hbm4b:s3+s10], $0x10, s22, s10, $0xb8;
	[tilespmem:$0x9E10] =	vst v63  }
0x2c: {  	s14 =	simm.s32 $0x0  }
0x2d: {  	[tilespmem:s25], [sflag:$0x8] =	stream.indirect.gather [hbm4b:s3+s12], $0x10, s24, s12, $0xb8;
	[tilespmem:$0x9E10] =	vst v63  }
.LBB2_2:
0x2e: {  	_ =	swait.ge [sflag:s26], $0x680  }
0x2f: {  	[sflag:s26] =	ssyncset.done $0x0  }
0x30: {  	s16 =	simm.s32 $0x6440;
	[sflag:s26] =	ssyncadd.s32 $0xFFFFF980  }
0x31: {  	v1 =	vld [tilespmem:s16+$0xFFFFFFC0];
	_ =	sdelay $0x1  }
0x32: {  	v2 =	vld [tilespmem:s16+$0xFFFFFFD0];
	_ =	sdelay $0x1  }
0x33: {  	v3 =	vimm.f32 $0.0e+00;
	v4 =	vld [tilespmem:s16+$0xFFFFFFE0]  }
0x34: {  	v1 =	vadd.f32 v1, v3  }
0x35: {  	v3 =	vld [tilespmem:s16+$0xFFFFFFF0]  }
0x36: {  	v1 =	vadd.f32 v2, v1  }
0x37: {  	v2 =	vld [tilespmem:s16+$0x0]  }
0x38: {  	v1 =	vadd.f32 v4, v1;
	_ =	sdelay $0x1  }
0x39: {  	v4 =	vld [tilespmem:s16+$0x10];
	v1 =	vadd.f32 v3, v1;
	_ =	sdelay $0x1  }
0x3a: {  	v3 =	vadd.f32 v2, v1;
	v1 =	vld [tilespmem:s16+$0x20];
	_ =	sdelay $0x1  }
0x3b: {  	v2 =	vld [tilespmem:s16+$0x30]  }
0x3c: {  	s15 =	simm.s32 $0x0;
	s16 =	simm.s32 $0x64C0;
	v3 =	vadd.f32 v4, v3  }
.LBB2_3:
0x3d: {  	v4 =	vld [tilespmem:s16+$0xFFFFFFC0];
	s15 =	sadd.s32 $0x8, s15  }
0x3e: {  	p0 =	slt.u32 s15, $0x60;
	v1 =	vadd.f32 v1, v3  }
0x3f: {  	v3 =	vld [tilespmem:s16+$0xFFFFFFD0]  }
0x40: {  	v1 =	vadd.f32 v2, v1  }
0x41: {  	v2 =	vld [tilespmem:s16+$0xFFFFFFE0]  }
0x42: {  	v1 =	vadd.f32 v4, v1  }
0x43: {  	v4 =	vld [tilespmem:s16+$0xFFFFFFF0]  }
0x44: {  	v1 =	vadd.f32 v3, v1  }
0x45: {  	v3 =	vld [tilespmem:s16+$0x0]  }
0x46: {  	v1 =	vadd.f32 v2, v1  }
0x47: {  	v5 =	vld [tilespmem:s16+$0x10]  }
.Ltmp2:
0x48: {  	v2 =	vadd.f32 v4, v1;
	(pc) =	sbr.rel @p0 .LBB2_3-.Ltmp2, $4  }
0x49: {  	v1 =	vld [tilespmem:s16+$0x20]  }
0x4a: {  	v3 =	vadd.f32 v3, v2  }
0x4b: {  	v2 =	vld [tilespmem:s16+$0x30]  }
0x4c: {  	s16 =	sadd.s32 $0x80, s16;
	v3 =	vadd.f32 v5, v3  }
0x4d: {  	s16 =	sshll.u32 s14, $0x2  }
0x4e: {  	p0 =	seq.s32 s14, $0x1F;
	s15 =	sadd.s32 $0x4, s16  }
0x4f: {  	s15 =	smul.u32 @!p0 $0x320, s15;
	_ =	sdelay $0x1  }
0x50: {  	s17 =	simm.s32 @!p0 $0x68;
	s18 =	simm.s32 @!p0 $0x6400;
	s15 =	sshra.s32 @!p0 s15, $0x2  }
0x51: {  	[tilespmem:s18], [sflag:$0x1] =	stream.indirect.gather @!p0 [hbm4b:s3+s17], $0x10, s15, s17, $0xb8;
	[tilespmem:$0x9E10] =	vst v63  }
0x52: {  	_ =	swait.ge [sflag:s28], $0x600  }
0x53: {  	[sflag:s28] =	ssyncset.done $0x0  }
0x54: {  	s19 =	simm.s32 $0x7E40;
	[sflag:s28] =	ssyncadd.s32 $0xFFFFFA00  }
0x55: {  	v4 =	vld [tilespmem:s19+$0xFFFFFFC0]  }
0x56: {  	v1 =	vadd.f32 v1, v3  }
0x57: {  	v3 =	vld [tilespmem:s19+$0xFFFFFFD0]  }
0x58: {  	v1 =	vadd.f32 v2, v1  }
0x59: {  	v2 =	vld [tilespmem:s19+$0xFFFFFFE0]  }
0x5a: {  	v1 =	vadd.f32 v4, v1  }
0x5b: {  	v4 =	vld [tilespmem:s19+$0xFFFFFFF0]  }
0x5c: {  	v1 =	vadd.f32 v3, v1  }
0x5d: {  	v3 =	vld [tilespmem:s19+$0x0]  }
0x5e: {  	v1 =	vadd.f32 v2, v1;
	_ =	sdelay $0x1  }
0x5f: {  	v5 =	vld [tilespmem:s19+$0x10];
	v1 =	vadd.f32 v4, v1;
	_ =	sdelay $0x1  }
0x60: {  	v3 =	vadd.f32 v3, v1;
	v1 =	vld [tilespmem:s19+$0x20];
	_ =	sdelay $0x1  }
0x61: {  	v2 =	vld [tilespmem:s19+$0x30]  }
0x62: {  	s17 =	simm.s32 $0x0;
	s18 =	simm.s32 $0x7EC0;
	v3 =	vadd.f32 v5, v3  }
.LBB2_5:
0x63: {  	v4 =	vld [tilespmem:s18+$0xFFFFFFC0];
	s17 =	sadd.s32 $0x8, s17  }
0x64: {  	p1 =	slt.u32 s17, $0x58;
	v1 =	vadd.f32 v1, v3  }
0x65: {  	v3 =	vld [tilespmem:s18+$0xFFFFFFD0]  }
0x66: {  	v1 =	vadd.f32 v2, v1  }
0x67: {  	v2 =	vld [tilespmem:s18+$0xFFFFFFE0]  }
0x68: {  	v1 =	vadd.f32 v4, v1  }
0x69: {  	v4 =	vld [tilespmem:s18+$0xFFFFFFF0]  }
0x6a: {  	v1 =	vadd.f32 v3, v1  }
0x6b: {  	v3 =	vld [tilespmem:s18+$0x0]  }
0x6c: {  	v1 =	vadd.f32 v2, v1  }
0x6d: {  	v5 =	vld [tilespmem:s18+$0x10]  }
.Ltmp3:
0x6e: {  	v2 =	vadd.f32 v4, v1;
	(pc) =	sbr.rel @p1 .LBB2_5-.Ltmp3, $4  }
0x6f: {  	v1 =	vld [tilespmem:s18+$0x20]  }
0x70: {  	v3 =	vadd.f32 v3, v2  }
0x71: {  	v2 =	vld [tilespmem:s18+$0x30]  }
0x72: {  	s18 =	sadd.s32 $0x80, s18;
	v3 =	vadd.f32 v5, v3  }
0x73: {  	_ = 	snop  }
0x74: {  	v1 =	vadd.f32 v1, v3;
	_ =	sdelay $0x1  }
0x75: {  	v1 =	vadd.f32 v2, v1;
	_ =	sdelay $0x1  }
0x76: {  	s15 =	sadd.s32 @!p0 $0x68, s15;
	s17 =	simm.s32 @!p0 $0x60;
	s18 =	simm.s32 @!p0 $0x7E00;
	v1 =	vmul.f32 $4.999999890e-03, v1  }
0x77: {  	[tilespmem:s18], [sflag:$0x5] =	stream.indirect.gather @!p0 [hbm4b:s3+s17], $0x10, s15, s17, $0xb8;
	[tilespmem:$0x9E10] =	vst v63  }
0x78: {  	s18 =	sshll.u32 s14, $0x6;
	v1 =	vadd.f32 v1, v0  }
0x79: {  	s15 =	sand.u32 $0x3FFFFFC0, s18  }
0x7a: {  	[tilespmem:s15+$0x9600] =	vst v1  }
0x7b: {  	_ =	swait.ge [sflag:s29], $0x680  }
0x7c: {  	[sflag:s29] =	ssyncset.done $0x0  }
0x7d: {  	s19 =	simm.s32 $0x6AC0;
	[sflag:s29] =	ssyncadd.s32 $0xFFFFF980  }
0x7e: {  	v1 =	vld [tilespmem:s19+$0xFFFFFFC0];
	_ =	sdelay $0x1  }
0x7f: {  	v2 =	vld [tilespmem:s19+$0xFFFFFFD0];
	_ =	sdelay $0x1  }
0x80: {  	v3 =	vimm.f32 $0.0e+00;
	v4 =	vld [tilespmem:s19+$0xFFFFFFE0]  }
0x81: {  	v1 =	vadd.f32 v1, v3  }
0x82: {  	v3 =	vld [tilespmem:s19+$0xFFFFFFF0]  }
0x83: {  	v1 =	vadd.f32 v2, v1  }
0x84: {  	v2 =	vld [tilespmem:s19+$0x0]  }
0x85: {  	v1 =	vadd.f32 v4, v1;
	_ =	sdelay $0x1  }
0x86: {  	v4 =	vld [tilespmem:s19+$0x10];
	v1 =	vadd.f32 v3, v1;
	_ =	sdelay $0x1  }
0x87: {  	v3 =	vadd.f32 v2, v1;
	v1 =	vld [tilespmem:s19+$0x20];
	_ =	sdelay $0x1  }
0x88: {  	v2 =	vld [tilespmem:s19+$0x30]  }
0x89: {  	s17 =	simm.s32 $0x0;
	s18 =	simm.s32 $0x6B40;
	v3 =	vadd.f32 v4, v3  }
.LBB2_7:
0x8a: {  	v4 =	vld [tilespmem:s18+$0xFFFFFFC0];
	s17 =	sadd.s32 $0x8, s17  }
0x8b: {  	p1 =	slt.u32 s17, $0x60;
	v1 =	vadd.f32 v1, v3  }
0x8c: {  	v3 =	vld [tilespmem:s18+$0xFFFFFFD0]  }
0x8d: {  	v1 =	vadd.f32 v2, v1  }
0x8e: {  	v2 =	vld [tilespmem:s18+$0xFFFFFFE0]  }
0x8f: {  	v1 =	vadd.f32 v4, v1  }
0x90: {  	v4 =	vld [tilespmem:s18+$0xFFFFFFF0]  }
0x91: {  	v1 =	vadd.f32 v3, v1  }
0x92: {  	v3 =	vld [tilespmem:s18+$0x0]  }
0x93: {  	v1 =	vadd.f32 v2, v1  }
0x94: {  	v5 =	vld [tilespmem:s18+$0x10]  }
.Ltmp4:
0x95: {  	v2 =	vadd.f32 v4, v1;
	(pc) =	sbr.rel @p1 .LBB2_7-.Ltmp4, $4  }
0x96: {  	v1 =	vld [tilespmem:s18+$0x20]  }
0x97: {  	v3 =	vadd.f32 v3, v2  }
0x98: {  	v2 =	vld [tilespmem:s18+$0x30]  }
0x99: {  	s18 =	sadd.s32 $0x80, s18;
	v3 =	vadd.f32 v5, v3  }
0x9a: {  	s17 =	sadd.s32 $0x5, s16  }
0x9b: {  	s17 =	smul.u32 @!p0 $0x320, s17;
	_ =	sdelay $0x1  }
0x9c: {  	s18 =	simm.s32 @!p0 $0x68;
	s19 =	simm.s32 @!p0 $0x6A80;
	s17 =	sshra.s32 @!p0 s17, $0x2  }
0x9d: {  	[tilespmem:s19], [sflag:$0x2] =	stream.indirect.gather @!p0 [hbm4b:s3+s18], $0x10, s17, s18, $0xb8;
	[tilespmem:$0x9E10] =	vst v63  }
0x9e: {  	_ =	swait.ge [sflag:s30], $0x600  }
0x9f: {  	[sflag:s30] =	ssyncset.done $0x0  }
0xa0: {  	s19 =	simm.s32 $0x8440;
	[sflag:s30] =	ssyncadd.s32 $0xFFFFFA00  }
0xa1: {  	v4 =	vld [tilespmem:s19+$0xFFFFFFC0]  }
0xa2: {  	v1 =	vadd.f32 v1, v3  }
0xa3: {  	v3 =	vld [tilespmem:s19+$0xFFFFFFD0]  }
0xa4: {  	v1 =	vadd.f32 v2, v1  }
0xa5: {  	v2 =	vld [tilespmem:s19+$0xFFFFFFE0]  }
0xa6: {  	v1 =	vadd.f32 v4, v1  }
0xa7: {  	v4 =	vld [tilespmem:s19+$0xFFFFFFF0]  }
0xa8: {  	v1 =	vadd.f32 v3, v1  }
0xa9: {  	v3 =	vld [tilespmem:s19+$0x0]  }
0xaa: {  	v1 =	vadd.f32 v2, v1;
	_ =	sdelay $0x1  }
0xab: {  	v5 =	vld [tilespmem:s19+$0x10];
	v1 =	vadd.f32 v4, v1;
	_ =	sdelay $0x1  }
0xac: {  	v3 =	vadd.f32 v3, v1;
	v1 =	vld [tilespmem:s19+$0x20];
	_ =	sdelay $0x1  }
0xad: {  	v2 =	vld [tilespmem:s19+$0x30]  }
0xae: {  	s18 =	simm.s32 $0x0;
	s19 =	simm.s32 $0x84C0;
	v3 =	vadd.f32 v5, v3  }
.LBB2_9:
0xaf: {  	v4 =	vld [tilespmem:s19+$0xFFFFFFC0];
	s18 =	sadd.s32 $0x8, s18  }
0xb0: {  	p1 =	slt.u32 s18, $0x58;
	v1 =	vadd.f32 v1, v3  }
0xb1: {  	v3 =	vld [tilespmem:s19+$0xFFFFFFD0]  }
0xb2: {  	v1 =	vadd.f32 v2, v1  }
0xb3: {  	v2 =	vld [tilespmem:s19+$0xFFFFFFE0]  }
0xb4: {  	v1 =	vadd.f32 v4, v1  }
0xb5: {  	v4 =	vld [tilespmem:s19+$0xFFFFFFF0]  }
0xb6: {  	v1 =	vadd.f32 v3, v1  }
0xb7: {  	v3 =	vld [tilespmem:s19+$0x0]  }
0xb8: {  	v1 =	vadd.f32 v2, v1  }
0xb9: {  	v5 =	vld [tilespmem:s19+$0x10]  }
.Ltmp5:
0xba: {  	v2 =	vadd.f32 v4, v1;
	(pc) =	sbr.rel @p1 .LBB2_9-.Ltmp5, $4  }
0xbb: {  	v1 =	vld [tilespmem:s19+$0x20]  }
0xbc: {  	v3 =	vadd.f32 v3, v2  }
0xbd: {  	v2 =	vld [tilespmem:s19+$0x30]  }
0xbe: {  	s19 =	sadd.s32 $0x80, s19;
	v3 =	vadd.f32 v5, v3  }
0xbf: {  	_ = 	snop  }
0xc0: {  	v1 =	vadd.f32 v1, v3;
	_ =	sdelay $0x1  }
0xc1: {  	v1 =	vadd.f32 v2, v1;
	_ =	sdelay $0x1  }
0xc2: {  	v1 =	vmul.f32 $4.999999890e-03, v1;
	_ =	sdelay $0x1  }
0xc3: {  	s17 =	sadd.s32 @!p0 $0x68, s17;
	s18 =	simm.s32 @!p0 $0x60;
	s19 =	simm.s32 @!p0 $0x8400;
	v1 =	vadd.f32 v1, v0  }
0xc4: {  	[tilespmem:s19], [sflag:$0x6] =	stream.indirect.gather @!p0 [hbm4b:s3+s18], $0x10, s17, s18, $0xb8;
	[tilespmem:$0x9E10] =	vst v63  }
0xc5: {  	[tilespmem:s15+$0x9610] =	vst v1  }
0xc6: {  	_ =	swait.ge [sflag:s31], $0x680  }
0xc7: {  	[sflag:s31] =	ssyncset.done $0x0  }
0xc8: {  	s19 =	simm.s32 $0x7140;
	[sflag:s31] =	ssyncadd.s32 $0xFFFFF980  }
0xc9: {  	v1 =	vld [tilespmem:s19+$0xFFFFFFC0];
	_ =	sdelay $0x1  }
0xca: {  	v2 =	vld [tilespmem:s19+$0xFFFFFFD0];
	_ =	sdelay $0x1  }
0xcb: {  	v3 =	vimm.f32 $0.0e+00;
	v4 =	vld [tilespmem:s19+$0xFFFFFFE0]  }
0xcc: {  	v1 =	vadd.f32 v1, v3  }
0xcd: {  	v3 =	vld [tilespmem:s19+$0xFFFFFFF0]  }
0xce: {  	v1 =	vadd.f32 v2, v1  }
0xcf: {  	v2 =	vld [tilespmem:s19+$0x0]  }
0xd0: {  	v1 =	vadd.f32 v4, v1;
	_ =	sdelay $0x1  }
0xd1: {  	v4 =	vld [tilespmem:s19+$0x10];
	v1 =	vadd.f32 v3, v1;
	_ =	sdelay $0x1  }
0xd2: {  	v3 =	vadd.f32 v2, v1;
	v1 =	vld [tilespmem:s19+$0x20];
	_ =	sdelay $0x1  }
0xd3: {  	v2 =	vld [tilespmem:s19+$0x30]  }
0xd4: {  	s17 =	simm.s32 $0x0;
	s18 =	simm.s32 $0x71C0;
	v3 =	vadd.f32 v4, v3  }
.LBB2_11:
0xd5: {  	v4 =	vld [tilespmem:s18+$0xFFFFFFC0];
	s17 =	sadd.s32 $0x8, s17  }
0xd6: {  	p1 =	slt.u32 s17, $0x60;
	v1 =	vadd.f32 v1, v3  }
0xd7: {  	v3 =	vld [tilespmem:s18+$0xFFFFFFD0]  }
0xd8: {  	v1 =	vadd.f32 v2, v1  }
0xd9: {  	v2 =	vld [tilespmem:s18+$0xFFFFFFE0]  }
0xda: {  	v1 =	vadd.f32 v4, v1  }
0xdb: {  	v4 =	vld [tilespmem:s18+$0xFFFFFFF0]  }
0xdc: {  	v1 =	vadd.f32 v3, v1  }
0xdd: {  	v3 =	vld [tilespmem:s18+$0x0]  }
0xde: {  	v1 =	vadd.f32 v2, v1  }
0xdf: {  	v5 =	vld [tilespmem:s18+$0x10]  }
.Ltmp6:
0xe0: {  	v2 =	vadd.f32 v4, v1;
	(pc) =	sbr.rel @p1 .LBB2_11-.Ltmp6, $4  }
0xe1: {  	v1 =	vld [tilespmem:s18+$0x20]  }
0xe2: {  	v3 =	vadd.f32 v3, v2  }
0xe3: {  	v2 =	vld [tilespmem:s18+$0x30]  }
0xe4: {  	s18 =	sadd.s32 $0x80, s18;
	v3 =	vadd.f32 v5, v3  }
0xe5: {  	s17 =	sadd.s32 $0x6, s16  }
0xe6: {  	s17 =	smul.u32 @!p0 $0x320, s17;
	_ =	sdelay $0x1  }
0xe7: {  	s18 =	simm.s32 @!p0 $0x68;
	s19 =	simm.s32 @!p0 $0x7100;
	s17 =	sshra.s32 @!p0 s17, $0x2  }
0xe8: {  	[tilespmem:s19], [sflag:$0x3] =	stream.indirect.gather @!p0 [hbm4b:s3+s18], $0x10, s17, s18, $0xb8;
	[tilespmem:$0x9E10] =	vst v63  }
0xe9: {  	_ =	swait.ge [sflag:s1], $0x600  }
0xea: {  	[sflag:s1] =	ssyncset.done $0x0  }
0xeb: {  	s19 =	simm.s32 $0x8A40;
	[sflag:s1] =	ssyncadd.s32 $0xFFFFFA00  }
0xec: {  	v4 =	vld [tilespmem:s19+$0xFFFFFFC0]  }
0xed: {  	v1 =	vadd.f32 v1, v3  }
0xee: {  	v3 =	vld [tilespmem:s19+$0xFFFFFFD0]  }
0xef: {  	v1 =	vadd.f32 v2, v1  }
0xf0: {  	v2 =	vld [tilespmem:s19+$0xFFFFFFE0]  }
0xf1: {  	v1 =	vadd.f32 v4, v1  }
0xf2: {  	v4 =	vld [tilespmem:s19+$0xFFFFFFF0]  }
0xf3: {  	v1 =	vadd.f32 v3, v1  }
0xf4: {  	v3 =	vld [tilespmem:s19+$0x0]  }
0xf5: {  	v1 =	vadd.f32 v2, v1;
	_ =	sdelay $0x1  }
0xf6: {  	v5 =	vld [tilespmem:s19+$0x10];
	v1 =	vadd.f32 v4, v1;
	_ =	sdelay $0x1  }
0xf7: {  	v3 =	vadd.f32 v3, v1;
	v1 =	vld [tilespmem:s19+$0x20];
	_ =	sdelay $0x1  }
0xf8: {  	v2 =	vld [tilespmem:s19+$0x30]  }
0xf9: {  	s18 =	simm.s32 $0x0;
	s19 =	simm.s32 $0x8AC0;
	v3 =	vadd.f32 v5, v3  }
.LBB2_13:
0xfa: {  	v4 =	vld [tilespmem:s19+$0xFFFFFFC0];
	s18 =	sadd.s32 $0x8, s18  }
0xfb: {  	p1 =	slt.u32 s18, $0x58;
	v1 =	vadd.f32 v1, v3  }
0xfc: {  	v3 =	vld [tilespmem:s19+$0xFFFFFFD0]  }
0xfd: {  	v1 =	vadd.f32 v2, v1  }
0xfe: {  	v2 =	vld [tilespmem:s19+$0xFFFFFFE0]  }
0xff: {  	v1 =	vadd.f32 v4, v1  }
0x100: {  	v4 =	vld [tilespmem:s19+$0xFFFFFFF0]  }
0x101: {  	v1 =	vadd.f32 v3, v1  }
0x102: {  	v3 =	vld [tilespmem:s19+$0x0]  }
0x103: {  	v1 =	vadd.f32 v2, v1  }
0x104: {  	v5 =	vld [tilespmem:s19+$0x10]  }
.Ltmp7:
0x105: {  	v2 =	vadd.f32 v4, v1;
	(pc) =	sbr.rel @p1 .LBB2_13-.Ltmp7, $4  }
0x106: {  	v1 =	vld [tilespmem:s19+$0x20]  }
0x107: {  	v3 =	vadd.f32 v3, v2  }
0x108: {  	v2 =	vld [tilespmem:s19+$0x30]  }
0x109: {  	s19 =	sadd.s32 $0x80, s19;
	v3 =	vadd.f32 v5, v3  }
0x10a: {  	_ = 	snop  }
0x10b: {  	v1 =	vadd.f32 v1, v3;
	_ =	sdelay $0x1  }
0x10c: {  	v1 =	vadd.f32 v2, v1;
	_ =	sdelay $0x1  }
0x10d: {  	v1 =	vmul.f32 $4.999999890e-03, v1;
	_ =	sdelay $0x1  }
0x10e: {  	s17 =	sadd.s32 @!p0 $0x68, s17;
	s18 =	simm.s32 @!p0 $0x60;
	s19 =	simm.s32 @!p0 $0x8A00;
	v1 =	vadd.f32 v1, v0  }
0x10f: {  	[tilespmem:s19], [sflag:$0x7] =	stream.indirect.gather @!p0 [hbm4b:s3+s18], $0x10, s17, s18, $0xb8;
	[tilespmem:$0x9E10] =	vst v63  }
0x110: {  	[tilespmem:s15+$0x9620] =	vst v1  }
0x111: {  	_ =	swait.ge [sflag:s0], $0x680  }
0x112: {  	[sflag:s0] =	ssyncset.done $0x0  }
0x113: {  	s19 =	simm.s32 $0x77C0;
	[sflag:s0] =	ssyncadd.s32 $0xFFFFF980  }
0x114: {  	v1 =	vld [tilespmem:s19+$0xFFFFFFC0];
	_ =	sdelay $0x1  }
0x115: {  	v2 =	vld [tilespmem:s19+$0xFFFFFFD0];
	_ =	sdelay $0x1  }
0x116: {  	v3 =	vimm.f32 $0.0e+00;
	v4 =	vld [tilespmem:s19+$0xFFFFFFE0]  }
0x117: {  	v1 =	vadd.f32 v1, v3  }
0x118: {  	v3 =	vld [tilespmem:s19+$0xFFFFFFF0]  }
0x119: {  	v1 =	vadd.f32 v2, v1  }
0x11a: {  	v2 =	vld [tilespmem:s19+$0x0]  }
0x11b: {  	v1 =	vadd.f32 v4, v1;
	_ =	sdelay $0x1  }
0x11c: {  	v4 =	vld [tilespmem:s19+$0x10];
	v1 =	vadd.f32 v3, v1;
	_ =	sdelay $0x1  }
0x11d: {  	v3 =	vadd.f32 v2, v1;
	v1 =	vld [tilespmem:s19+$0x20];
	_ =	sdelay $0x1  }
0x11e: {  	v2 =	vld [tilespmem:s19+$0x30]  }
0x11f: {  	s17 =	simm.s32 $0x0;
	s18 =	simm.s32 $0x7840;
	v3 =	vadd.f32 v4, v3  }
.LBB2_15:
0x120: {  	v4 =	vld [tilespmem:s18+$0xFFFFFFC0];
	s17 =	sadd.s32 $0x8, s17  }
0x121: {  	p1 =	slt.u32 s17, $0x60;
	v1 =	vadd.f32 v1, v3  }
0x122: {  	v3 =	vld [tilespmem:s18+$0xFFFFFFD0]  }
0x123: {  	v1 =	vadd.f32 v2, v1  }
0x124: {  	v2 =	vld [tilespmem:s18+$0xFFFFFFE0]  }
0x125: {  	v1 =	vadd.f32 v4, v1  }
0x126: {  	v4 =	vld [tilespmem:s18+$0xFFFFFFF0]  }
0x127: {  	v1 =	vadd.f32 v3, v1  }
0x128: {  	v3 =	vld [tilespmem:s18+$0x0]  }
0x129: {  	v1 =	vadd.f32 v2, v1  }
0x12a: {  	v5 =	vld [tilespmem:s18+$0x10]  }
.Ltmp8:
0x12b: {  	v2 =	vadd.f32 v4, v1;
	(pc) =	sbr.rel @p1 .LBB2_15-.Ltmp8, $4  }
0x12c: {  	v1 =	vld [tilespmem:s18+$0x20]  }
0x12d: {  	v3 =	vadd.f32 v3, v2  }
0x12e: {  	v2 =	vld [tilespmem:s18+$0x30]  }
0x12f: {  	s18 =	sadd.s32 $0x80, s18;
	v3 =	vadd.f32 v5, v3  }
0x130: {  	s16 =	sadd.s32 $0x7, s16  }
0x131: {  	s17 =	smul.u32 @!p0 $0x320, s16;
	_ =	sdelay $0x1  }
0x132: {  	s18 =	simm.s32 @!p0 $0x68;
	s19 =	simm.s32 @!p0 $0x7780;
	s17 =	sshra.s32 @!p0 s17, $0x2  }
0x133: {  	[tilespmem:s19], [sflag:$0x4] =	stream.indirect.gather @!p0 [hbm4b:s3+s18], $0x10, s17, s18, $0xb8;
	[tilespmem:$0x9E10] =	vst v63  }
0x134: {  	_ =	swait.ge [sflag:s9], $0x600  }
0x135: {  	[sflag:s9] =	ssyncset.done $0x0  }
0x136: {  	s19 =	simm.s32 $0x9040;
	[sflag:s9] =	ssyncadd.s32 $0xFFFFFA00  }
0x137: {  	v4 =	vld [tilespmem:s19+$0xFFFFFFC0]  }
0x138: {  	v1 =	vadd.f32 v1, v3  }
0x139: {  	v3 =	vld [tilespmem:s19+$0xFFFFFFD0]  }
0x13a: {  	v1 =	vadd.f32 v2, v1  }
0x13b: {  	v2 =	vld [tilespmem:s19+$0xFFFFFFE0]  }
0x13c: {  	v1 =	vadd.f32 v4, v1  }
0x13d: {  	v4 =	vld [tilespmem:s19+$0xFFFFFFF0]  }
0x13e: {  	v1 =	vadd.f32 v3, v1  }
0x13f: {  	v3 =	vld [tilespmem:s19+$0x0]  }
0x140: {  	v1 =	vadd.f32 v2, v1;
	_ =	sdelay $0x1  }
0x141: {  	v5 =	vld [tilespmem:s19+$0x10];
	v1 =	vadd.f32 v4, v1;
	_ =	sdelay $0x1  }
0x142: {  	v3 =	vadd.f32 v3, v1;
	v1 =	vld [tilespmem:s19+$0x20];
	_ =	sdelay $0x1  }
0x143: {  	v2 =	vld [tilespmem:s19+$0x30]  }
0x144: {  	s17 =	simm.s32 $0x0;
	s18 =	simm.s32 $0x90C0;
	v3 =	vadd.f32 v5, v3  }
.LBB2_17:
0x145: {  	v4 =	vld [tilespmem:s18+$0xFFFFFFC0];
	s17 =	sadd.s32 $0x8, s17  }
0x146: {  	p1 =	slt.u32 s17, $0x58;
	v1 =	vadd.f32 v1, v3  }
0x147: {  	v3 =	vld [tilespmem:s18+$0xFFFFFFD0]  }
0x148: {  	v1 =	vadd.f32 v2, v1  }
0x149: {  	v2 =	vld [tilespmem:s18+$0xFFFFFFE0]  }
0x14a: {  	v1 =	vadd.f32 v4, v1  }
0x14b: {  	v4 =	vld [tilespmem:s18+$0xFFFFFFF0]  }
0x14c: {  	v1 =	vadd.f32 v3, v1  }
0x14d: {  	v3 =	vld [tilespmem:s18+$0x0]  }
0x14e: {  	v1 =	vadd.f32 v2, v1  }
0x14f: {  	v5 =	vld [tilespmem:s18+$0x10]  }
.Ltmp9:
0x150: {  	v2 =	vadd.f32 v4, v1;
	(pc) =	sbr.rel @p1 .LBB2_17-.Ltmp9, $4  }
0x151: {  	v1 =	vld [tilespmem:s18+$0x20]  }
0x152: {  	v3 =	vadd.f32 v3, v2  }
0x153: {  	v2 =	vld [tilespmem:s18+$0x30]  }
0x154: {  	s18 =	sadd.s32 $0x80, s18;
	v3 =	vadd.f32 v5, v3  }
0x155: {  	_ = 	snop  }
0x156: {  	v1 =	vadd.f32 v1, v3;
	_ =	sdelay $0x1  }
.Ltmp10:
0x157: {  	v1 =	vadd.f32 v2, v1;
	(pc) =	sbr.rel @p0 .LBB2_20-.Ltmp10, $3  }
0x158: {  	_ = 	snop  }
0x159: {  	v1 =	vmul.f32 $4.999999890e-03, v1;
	_ =	sdelay $0x1  }
0x15a: {  	v1 =	vadd.f32 v1, v0  }
0x15b: {  	s16 =	smul.u32 $0x320, s16  }
.Ltmp11:
0x15c: {  	_ = 	snop;
	(pc) =	sbr.rel .LBB2_2-.Ltmp11, $4  }
0x15d: {  	s16 =	sshra.s32 s16, $0x2  }
0x15e: {  	s16 =	sadd.s32 $0x68, s16  }
0x15f: {  	[tilespmem:s25], [sflag:$0x8] =	stream.indirect.gather [hbm4b:s3+s12], $0x10, s16, s12, $0xb8;
	[tilespmem:$0x9E10] =	vst v63  }
0x160: {  	s14 =	sadd.s32 $0x1, s14;
	[tilespmem:s15+$0x9630] =	vst v1  }
.LBB2_21:
0x161: {  	_ =	sfence.sel $0x180000  }
0x162: {  	[bflag:$0x0] =	sbarrier.arrive $0xFFFF  }
0x163: {  	_ =	strace $0x9000004A  }
0x164: {  	s0 =	stileid.u32;
	[bflag:$0x2] =	sbarrier.arrive $0xFFFF  }
0x165: {  	p0 =	sne.s32 s0, $0x0;
	s0 =	rddreg [dreg:$0x2]  }
0x166: {  	s0 =	sadd.s32 @!p0 $0x100000, s0  }
0x167: {  	[sflag:s0] =	ssyncadd.tile.s32 @!p0 $0x1;
	_ =	shalt  }
.Lfunc_end2:
_tile_overlayer_lowered:
.L_overlay_start_2:
0x168: {  	(tag) =	ssettag $0x2  }
0x169: {  	s0 =	rddreg [dreg:$0x0];
	s2 =	stileid.u32  }
0x16a: {  	s1 =	rddreg [dreg:$0x1];
	p0 =	sne.s32 s2, $0x0  }
0x16b: {  	s3 =	rddreg [dreg:$0x2];
	[bflag:$0x3] =	sbarrier.arrive $0xFFFF;
	s2 =	simm.s32 @!p0 $0x1C09  }
0x16c: {  	[timem:s3], [sflag:s2] =	dma.local @!p0 [hbm:s0], s1  }
0x16d: {  	s0 =	simm.s32 @!p0 $0x9  }
0x16e: {  	_ =	swait.ge @!p0 [sflag:s0], s1  }
0x16f: {  	s1 =	ssub.s32 @!p0 $0x0, s1;
	[sflag:s0] =	ssyncset.done @!p0 $0x0  }
0x170: {  	[sflag:s0] =	ssyncadd.s32 @!p0 s1  }
0x171: {  	[bflag:$0x3] =	sbarrier.arrive $0xFFFF  }
0x172: {  	_ =	shalt  }

</sc_bundles>
